<compile_context>
chip_gen: v7x
topology: tpu7x:2x2x1
jax: 0.10.2.dev20260603
libtpu: 0.0.44.dev20260713+nightly
codegen_flags: <defaults>
</compile_context>

<pallas_src>
import functools

import jax
import jax.numpy as jnp
from jax import lax
from jax.experimental import pallas as pl
from jax.experimental.pallas import tpu as pltpu
from jax.experimental.pallas import tpu_sc as plsc

DEPTH = 24
VQT_NUM = 10
EMBED_DIM = 1024
BATCH = 256

_info = plsc.get_sparse_core_info()
_NC = _info.num_cores
_NS = _info.num_subcores
_NL = _info.num_lanes
_NW = _NC * _NS
_R0 = 2
_R1 = 14
_RMAX = max(_R0, _R1)
assert (_R0 + _R1) * _NS == BATCH

_mesh = plsc.VectorSubcoreMesh(core_axis_name="c", subcore_axis_name="s")


@functools.partial(
    pl.kernel,
    mesh=_mesh,
    out_type=jax.ShapeDtypeStruct((VQT_NUM, BATCH, EMBED_DIM), jnp.float32),
    scratch_types=[
        pltpu.VMEM((_NL,), jnp.int32),
        pltpu.VMEM((VQT_NUM, 1, EMBED_DIM), jnp.float32),
        pltpu.SemaphoreType.DMA,
        pltpu.SemaphoreType.DMA,
    ],
)
def _vqt_expand(table_hbm, idx_hbm, out_hbm, idx_v, row_v, gsem, wsem):
    core = lax.axis_index("c")
    sub = lax.axis_index("s")
    n_mine = jnp.where(core == 0, _R0, _R1)
    base = jnp.where(core == 0, sub * _R0, _R0 * _NS + sub * _R1)
    pltpu.sync_copy(idx_hbm, idx_v)
    layer = idx_v[...][0]
    pltpu.async_copy(
        table_hbm.at[:, pl.ds(layer, 1), :], row_v, gsem
    ).wait()
    for j in range(_RMAX):
        @pl.when(j < n_mine)
        def _fire(j=j):
            pltpu.async_copy(
                row_v, out_hbm.at[:, pl.ds(base + j, 1), :], wsem
            )

    for j in range(_RMAX):
        @pl.when(j < n_mine)
        def _drain(j=j):
            pltpu.make_async_copy(
                row_v, out_hbm.at[:, pl.ds(base + j, 1), :], wsem
            ).wait()


def kernel(query_prompt_embeddings, index, batch_size):
    del batch_size
    table_t = jnp.transpose(query_prompt_embeddings, (1, 0, 2))
    idx = jnp.full((_NL,), index, jnp.int32)
    out = _vqt_expand(table_t, idx)
    return jnp.transpose(out, (1, 0, 2))

# --- scband reference (transcript-rebuilt; emitter-appended) ---
"""Pipeline reference for scband-vqt-33440615367192 (READ-ONLY COPY).

The authoritative reference and input builder live on the scoring server;
editing this copy changes nothing except your own understanding.
"""

import jax, jax.numpy as jnp
import numpy as np
import math

DEPTH = 24
VQT_NUM = 10
EMBED_DIM = 1024
PATCH = 16
BATCH_SIZE = 256


def setup_inputs(seed: int = 0) -> dict:
    key = jax.random.key(seed)
    val = math.sqrt(6.0 / float(3 * PATCH * PATCH + EMBED_DIM))
    query_prompt_embeddings = jax.random.uniform(
        key, (DEPTH, VQT_NUM, EMBED_DIM), dtype=jnp.float32, minval=-val, maxval=val
    )
    return {
        "query_prompt_embeddings": query_prompt_embeddings,
        "index": 12,
        "batch_size": 256,
    }


def reference(query_prompt_embeddings, index, batch_size):
    # retrieve_prompt: gather the per-layer prompt block, (dropout is identity in eval),
    # then expand across the batch dimension without copying semantics changed.
    prompt = query_prompt_embeddings[index]  # [vqt_num, embed_dim]
    out = jnp.broadcast_to(prompt, (BATCH_SIZE, prompt.shape[0], prompt.shape[1]))
    out = out + jnp.zeros((), dtype=out.dtype) * batch_size
    return out

if __name__ == "__main__":
    import jax
    _d = setup_inputs()
    print(jax.jit(kernel)(*tuple(_d.values())))

</pallas_src>

<mosaic_0001>
#map = affine_map<(d0, d1) -> (0, 0, 0)>
#map1 = affine_map<(d0, d1) -> (0)>
module attributes {stable_mosaic.version = 14 : i64} {
  func.func @_vqt_expand(%arg0: i32, %arg1: i32, %arg2: memref<10x24x1024xf32, #tpu.memory_space<hbm>>, %arg3: memref<16xi32, #tpu.memory_space<hbm>>, %arg4: memref<10x256x1024xf32, #tpu.memory_space<hbm>>, %arg5: memref<16xi32, #tpu.memory_space<vmem>>, %arg6: memref<10x1x1024xf32, #tpu.memory_space<vmem>>, %arg7: memref<!tpu.dma_semaphore, #tpu.memory_space<semaphore_mem>>, %arg8: memref<!tpu.dma_semaphore, #tpu.memory_space<semaphore_mem>>) attributes {dimension_semantics = [#tpu.dimension_semantics<core_parallel>, #tpu.dimension_semantics<subcore_parallel>], iteration_bounds = array<i64: 2, 16>, scalar_prefetch = 0 : i64, scratch_operands = 4 : i64, tpu.core_type = #tpu.core_type<sc_vector_subcore>, window_params = [{transform_indices = #map}, {transform_indices = #map1}, {transform_indices = #map}]} {
    %eq3A = arith.constant 0 : i32
    %eq3A_0 = arith.cmpi eq, %arg0, %eq3A : i32
    %jit3A = arith.constant 2 : i32
    %jit3A_1 = arith.constant 14 : i32
    %select_n3A = arith.select %eq3A_0, %jit3A, %jit3A_1 : i32
    %eq3A_2 = arith.constant 0 : i32
    %eq3A_3 = arith.cmpi eq, %arg0, %eq3A_2 : i32
    %mul3A = arith.constant 2 : i32
    %mul3A_4 = arith.muli %arg1, %mul3A : i32
    %mul3A_5 = arith.constant 14 : i32
    %mul3A_6 = arith.muli %arg1, %mul3A_5 : i32
    %add3A = arith.constant 32 : i32
    %add3A_7 = arith.addi %add3A, %mul3A_6 : i32
    %select_n3A_8 = arith.select %eq3A_3, %mul3A_4, %add3A_7 : i32
    "tpu.region"() ({
      %run_scoped3A = tpu.sem_alloc : memref<!tpu.dma_semaphore, #tpu.memory_space<semaphore_mem>>
      tpu.enqueue_dma source(%arg3 : memref<16xi32, #tpu.memory_space<hbm>>) target(%arg5 : memref<16xi32, #tpu.memory_space<vmem>>) target_semaphore(%run_scoped3A : memref<!tpu.dma_semaphore, #tpu.memory_space<semaphore_mem>>)
      tpu.wait_dma2 semaphore(%run_scoped3A : memref<!tpu.dma_semaphore, #tpu.memory_space<semaphore_mem>>) src(%arg3 : memref<16xi32, #tpu.memory_space<hbm>>) dst(%arg5 : memref<16xi32, #tpu.memory_space<vmem>>)
      tpu.yield
    }) : () -> ()
    %get3A = arith.constant 0 : index
    %get3A_9 = tpu.vector_load %arg5[%get3A] {strides = array<i32>} : memref<16xi32, #tpu.memory_space<vmem>>, vector<16xi32>,
    %get3A_10 = vector.shape_cast %get3A_9 : vector<16xi32> to vector<16xi32>
    %slice3A = vector.extract_strided_slice %get3A_10 {offsets = [0], sizes = [1], strides = [1]} : vector<16xi32> to vector<1xi32>
    %squeeze3A = vector.extract %slice3A[0] : i32 from vector<1xi32>
    %dma_start3A = arith.constant 0 : i32
    %dma_start3A_11 = arith.constant 0 : i32
    %dma_start3A_12 = tpu.memref_slice %arg2[%dma_start3A, %squeeze3A, %dma_start3A_11] : memref<10x24x1024xf32, #tpu.memory_space<hbm>> -> memref<10x1x1024xf32, #tpu.memory_space<hbm>>
    %dma_start3A_13 = arith.constant 0 : i32
    %dma_start3A_14 = arith.constant 0 : i32
    %dma_start3A_15 = tpu.memref_slice %arg2[%dma_start3A_13, %squeeze3A, %dma_start3A_14] : memref<10x24x1024xf32, #tpu.memory_space<hbm>> -> memref<10x1x1024xf32, #tpu.memory_space<hbm>>
    tpu.enqueue_dma source(%dma_start3A_15 : memref<10x1x1024xf32, #tpu.memory_space<hbm>>) target(%arg6 : memref<10x1x1024xf32, #tpu.memory_space<vmem>>) target_semaphore(%arg7 : memref<!tpu.dma_semaphore, #tpu.memory_space<semaphore_mem>>)
    %dma_wait3A = arith.constant 0 : i32
    %dma_wait3A_16 = arith.constant 0 : i32
    %dma_wait3A_17 = tpu.memref_slice %arg2[%dma_wait3A, %squeeze3A, %dma_wait3A_16] : memref<10x24x1024xf32, #tpu.memory_space<hbm>> -> memref<10x1x1024xf32, #tpu.memory_space<hbm>>
    %dma_wait3A_18 = arith.constant 0 : i32
    %dma_wait3A_19 = arith.constant 0 : i32
    %dma_wait3A_20 = tpu.memref_slice %arg2[%dma_wait3A_18, %squeeze3A, %dma_wait3A_19] : memref<10x24x1024xf32, #tpu.memory_space<hbm>> -> memref<10x1x1024xf32, #tpu.memory_space<hbm>>
    tpu.wait_dma2 semaphore(%arg7 : memref<!tpu.dma_semaphore, #tpu.memory_space<semaphore_mem>>) src(%dma_wait3A_20 : memref<10x1x1024xf32, #tpu.memory_space<hbm>>) dst(%arg6 : memref<10x1x1024xf32, #tpu.memory_space<vmem>>)
    %gt3A = arith.constant 0 : i32
    %gt3A_21 = arith.cmpi sgt, %select_n3A, %gt3A : i32
    %convert_element_type3A = arith.extui %gt3A_21 : i1 to i32
    %cond3A = arith.constant 0 : i32
    %cond3A_22 = arith.cmpi ne, %convert_element_type3A, %cond3A : i32
    scf.if %cond3A_22 {
      %add3A_158 = arith.constant 0 : i32
      %add3A_159 = arith.addi %select_n3A_8, %add3A_158 : i32
      %dma_start3A_160 = arith.constant 0 : i32
      %dma_start3A_161 = arith.constant 0 : i32
      %dma_start3A_162 = tpu.memref_slice %arg4[%dma_start3A_160, %add3A_159, %dma_start3A_161] : memref<10x256x1024xf32, #tpu.memory_space<hbm>> -> memref<10x1x1024xf32, #tpu.memory_space<hbm>>
      %dma_start3A_163 = arith.constant 0 : i32
      %dma_start3A_164 = arith.constant 0 : i32
      %dma_start3A_165 = tpu.memref_slice %arg4[%dma_start3A_163, %add3A_159, %dma_start3A_164] : memref<10x256x1024xf32, #tpu.memory_space<hbm>> -> memref<10x1x1024xf32, #tpu.memory_space<hbm>>
      tpu.enqueue_dma source(%arg6 : memref<10x1x1024xf32, #tpu.memory_space<vmem>>) target(%dma_start3A_165 : memref<10x1x1024xf32, #tpu.memory_space<hbm>>) target_semaphore(%arg8 : memref<!tpu.dma_semaphore, #tpu.memory_space<semaphore_mem>>)
    } else {
    }
    %gt3A_23 = arith.constant 1 : i32
    %gt3A_24 = arith.cmpi sgt, %select_n3A, %gt3A_23 : i32
    %convert_element_type3A_25 = arith.extui %gt3A_24 : i1 to i32
    %cond3A_26 = arith.constant 0 : i32
    %cond3A_27 = arith.cmpi ne, %convert_element_type3A_25, %cond3A_26 : i32
    scf.if %cond3A_27 {
      %add3A_158 = arith.constant 1 : i32
      %add3A_159 = arith.addi %select_n3A_8, %add3A_158 : i32
      %dma_start3A_160 = arith.constant 0 : i32
      %dma_start3A_161 = arith.constant 0 : i32
      %dma_start3A_162 = tpu.memref_slice %arg4[%dma_start3A_160, %add3A_159, %dma_start3A_161] : memref<10x256x1024xf32, #tpu.memory_space<hbm>> -> memref<10x1x1024xf32, #tpu.memory_space<hbm>>
      %dma_start3A_163 = arith.constant 0 : i32
      %dma_start3A_164 = arith.constant 0 : i32
      %dma_start3A_165 = tpu.memref_slice %arg4[%dma_start3A_163, %add3A_159, %dma_start3A_164] : memref<10x256x1024xf32, #tpu.memory_space<hbm>> -> memref<10x1x1024xf32, #tpu.memory_space<hbm>>
      tpu.enqueue_dma source(%arg6 : memref<10x1x1024xf32, #tpu.memory_space<vmem>>) target(%dma_start3A_165 : memref<10x1x1024xf32, #tpu.memory_space<hbm>>) target_semaphore(%arg8 : memref<!tpu.dma_semaphore, #tpu.memory_space<semaphore_mem>>)
    } else {
    }
    %gt3A_28 = arith.constant 2 : i32
    %gt3A_29 = arith.cmpi sgt, %select_n3A, %gt3A_28 : i32
    %convert_element_type3A_30 = arith.extui %gt3A_29 : i1 to i32
    %cond3A_31 = arith.constant 0 : i32
    %cond3A_32 = arith.cmpi ne, %convert_element_type3A_30, %cond3A_31 : i32
    scf.if %cond3A_32 {
      %add3A_158 = arith.constant 2 : i32
      %add3A_159 = arith.addi %select_n3A_8, %add3A_158 : i32
      %dma_start3A_160 = arith.constant 0 : i32
      %dma_start3A_161 = arith.constant 0 : i32
      %dma_start3A_162 = tpu.memref_slice %arg4[%dma_start3A_160, %add3A_159, %dma_start3A_161] : memref<10x256x1024xf32, #tpu.memory_space<hbm>> -> memref<10x1x1024xf32, #tpu.memory_space<hbm>>
      %dma_start3A_163 = arith.constant 0 : i32
      %dma_start3A_164 = arith.constant 0 : i32
      %dma_start3A_165 = tpu.memref_slice %arg4[%dma_start3A_163, %add3A_159, %dma_start3A_164] : memref<10x256x1024xf32, #tpu.memory_space<hbm>> -> memref<10x1x1024xf32, #tpu.memory_space<hbm>>
      tpu.enqueue_dma source(%arg6 : memref<10x1x1024xf32, #tpu.memory_space<vmem>>) target(%dma_start3A_165 : memref<10x1x1024xf32, #tpu.memory_space<hbm>>) target_semaphore(%arg8 : memref<!tpu.dma_semaphore, #tpu.memory_space<semaphore_mem>>)
    } else {
    }
    %gt3A_33 = arith.constant 3 : i32
    %gt3A_34 = arith.cmpi sgt, %select_n3A, %gt3A_33 : i32
    %convert_element_type3A_35 = arith.extui %gt3A_34 : i1 to i32
    %cond3A_36 = arith.constant 0 : i32
    %cond3A_37 = arith.cmpi ne, %convert_element_type3A_35, %cond3A_36 : i32
    scf.if %cond3A_37 {
      %add3A_158 = arith.constant 3 : i32
      %add3A_159 = arith.addi %select_n3A_8, %add3A_158 : i32
      %dma_start3A_160 = arith.constant 0 : i32
      %dma_start3A_161 = arith.constant 0 : i32
      %dma_start3A_162 = tpu.memref_slice %arg4[%dma_start3A_160, %add3A_159, %dma_start3A_161] : memref<10x256x1024xf32, #tpu.memory_space<hbm>> -> memref<10x1x1024xf32, #tpu.memory_space<hbm>>
      %dma_start3A_163 = arith.constant 0 : i32
      %dma_start3A_164 = arith.constant 0 : i32
      %dma_start3A_165 = tpu.memref_slice %arg4[%dma_start3A_163, %add3A_159, %dma_start3A_164] : memref<10x256x1024xf32, #tpu.memory_space<hbm>> -> memref<10x1x1024xf32, #tpu.memory_space<hbm>>
      tpu.enqueue_dma source(%arg6 : memref<10x1x1024xf32, #tpu.memory_space<vmem>>) target(%dma_start3A_165 : memref<10x1x1024xf32, #tpu.memory_space<hbm>>) target_semaphore(%arg8 : memref<!tpu.dma_semaphore, #tpu.memory_space<semaphore_mem>>)
    } else {
    }
    %gt3A_38 = arith.constant 4 : i32
    %gt3A_39 = arith.cmpi sgt, %select_n3A, %gt3A_38 : i32
    %convert_element_type3A_40 = arith.extui %gt3A_39 : i1 to i32
    %cond3A_41 = arith.constant 0 : i32
    %cond3A_42 = arith.cmpi ne, %convert_element_type3A_40, %cond3A_41 : i32
    scf.if %cond3A_42 {
      %add3A_158 = arith.constant 4 : i32
      %add3A_159 = arith.addi %select_n3A_8, %add3A_158 : i32
      %dma_start3A_160 = arith.constant 0 : i32
      %dma_start3A_161 = arith.constant 0 : i32
      %dma_start3A_162 = tpu.memref_slice %arg4[%dma_start3A_160, %add3A_159, %dma_start3A_161] : memref<10x256x1024xf32, #tpu.memory_space<hbm>> -> memref<10x1x1024xf32, #tpu.memory_space<hbm>>
      %dma_start3A_163 = arith.constant 0 : i32
      %dma_start3A_164 = arith.constant 0 : i32
      %dma_start3A_165 = tpu.memref_slice %arg4[%dma_start3A_163, %add3A_159, %dma_start3A_164] : memref<10x256x1024xf32, #tpu.memory_space<hbm>> -> memref<10x1x1024xf32, #tpu.memory_space<hbm>>
      tpu.enqueue_dma source(%arg6 : memref<10x1x1024xf32, #tpu.memory_space<vmem>>) target(%dma_start3A_165 : memref<10x1x1024xf32, #tpu.memory_space<hbm>>) target_semaphore(%arg8 : memref<!tpu.dma_semaphore, #tpu.memory_space<semaphore_mem>>)
    } else {
    }
    %gt3A_43 = arith.constant 5 : i32
    %gt3A_44 = arith.cmpi sgt, %select_n3A, %gt3A_43 : i32
    %convert_element_type3A_45 = arith.extui %gt3A_44 : i1 to i32
    %cond3A_46 = arith.constant 0 : i32
    %cond3A_47 = arith.cmpi ne, %convert_element_type3A_45, %cond3A_46 : i32
    scf.if %cond3A_47 {
      %add3A_158 = arith.constant 5 : i32
      %add3A_159 = arith.addi %select_n3A_8, %add3A_158 : i32
      %dma_start3A_160 = arith.constant 0 : i32
      %dma_start3A_161 = arith.constant 0 : i32
      %dma_start3A_162 = tpu.memref_slice %arg4[%dma_start3A_160, %add3A_159, %dma_start3A_161] : memref<10x256x1024xf32, #tpu.memory_space<hbm>> -> memref<10x1x1024xf32, #tpu.memory_space<hbm>>
      %dma_start3A_163 = arith.constant 0 : i32
      %dma_start3A_164 = arith.constant 0 : i32
      %dma_start3A_165 = tpu.memref_slice %arg4[%dma_start3A_163, %add3A_159, %dma_start3A_164] : memref<10x256x1024xf32, #tpu.memory_space<hbm>> -> memref<10x1x1024xf32, #tpu.memory_space<hbm>>
      tpu.enqueue_dma source(%arg6 : memref<10x1x1024xf32, #tpu.memory_space<vmem>>) target(%dma_start3A_165 : memref<10x1x1024xf32, #tpu.memory_space<hbm>>) target_semaphore(%arg8 : memref<!tpu.dma_semaphore, #tpu.memory_space<semaphore_mem>>)
    } else {
    }
    %gt3A_48 = arith.constant 6 : i32
    %gt3A_49 = arith.cmpi sgt, %select_n3A, %gt3A_48 : i32
    %convert_element_type3A_50 = arith.extui %gt3A_49 : i1 to i32
    %cond3A_51 = arith.constant 0 : i32
    %cond3A_52 = arith.cmpi ne, %convert_element_type3A_50, %cond3A_51 : i32
    scf.if %cond3A_52 {
      %add3A_158 = arith.constant 6 : i32
      %add3A_159 = arith.addi %select_n3A_8, %add3A_158 : i32
      %dma_start3A_160 = arith.constant 0 : i32
      %dma_start3A_161 = arith.constant 0 : i32
      %dma_start3A_162 = tpu.memref_slice %arg4[%dma_start3A_160, %add3A_159, %dma_start3A_161] : memref<10x256x1024xf32, #tpu.memory_space<hbm>> -> memref<10x1x1024xf32, #tpu.memory_space<hbm>>
      %dma_start3A_163 = arith.constant 0 : i32
      %dma_start3A_164 = arith.constant 0 : i32
      %dma_start3A_165 = tpu.memref_slice %arg4[%dma_start3A_163, %add3A_159, %dma_start3A_164] : memref<10x256x1024xf32, #tpu.memory_space<hbm>> -> memref<10x1x1024xf32, #tpu.memory_space<hbm>>
      tpu.enqueue_dma source(%arg6 : memref<10x1x1024xf32, #tpu.memory_space<vmem>>) target(%dma_start3A_165 : memref<10x1x1024xf32, #tpu.memory_space<hbm>>) target_semaphore(%arg8 : memref<!tpu.dma_semaphore, #tpu.memory_space<semaphore_mem>>)
    } else {
    }
    %gt3A_53 = arith.constant 7 : i32
    %gt3A_54 = arith.cmpi sgt, %select_n3A, %gt3A_53 : i32
    %convert_element_type3A_55 = arith.extui %gt3A_54 : i1 to i32
    %cond3A_56 = arith.constant 0 : i32
    %cond3A_57 = arith.cmpi ne, %convert_element_type3A_55, %cond3A_56 : i32
    scf.if %cond3A_57 {
      %add3A_158 = arith.constant 7 : i32
      %add3A_159 = arith.addi %select_n3A_8, %add3A_158 : i32
      %dma_start3A_160 = arith.constant 0 : i32
      %dma_start3A_161 = arith.constant 0 : i32
      %dma_start3A_162 = tpu.memref_slice %arg4[%dma_start3A_160, %add3A_159, %dma_start3A_161] : memref<10x256x1024xf32, #tpu.memory_space<hbm>> -> memref<10x1x1024xf32, #tpu.memory_space<hbm>>
      %dma_start3A_163 = arith.constant 0 : i32
      %dma_start3A_164 = arith.constant 0 : i32
      %dma_start3A_165 = tpu.memref_slice %arg4[%dma_start3A_163, %add3A_159, %dma_start3A_164] : memref<10x256x1024xf32, #tpu.memory_space<hbm>> -> memref<10x1x1024xf32, #tpu.memory_space<hbm>>
      tpu.enqueue_dma source(%arg6 : memref<10x1x1024xf32, #tpu.memory_space<vmem>>) target(%dma_start3A_165 : memref<10x1x1024xf32, #tpu.memory_space<hbm>>) target_semaphore(%arg8 : memref<!tpu.dma_semaphore, #tpu.memory_space<semaphore_mem>>)
    } else {
    }
    %gt3A_58 = arith.constant 8 : i32
    %gt3A_59 = arith.cmpi sgt, %select_n3A, %gt3A_58 : i32
    %convert_element_type3A_60 = arith.extui %gt3A_59 : i1 to i32
    %cond3A_61 = arith.constant 0 : i32
    %cond3A_62 = arith.cmpi ne, %convert_element_type3A_60, %cond3A_61 : i32
    scf.if %cond3A_62 {
      %add3A_158 = arith.constant 8 : i32
      %add3A_159 = arith.addi %select_n3A_8, %add3A_158 : i32
      %dma_start3A_160 = arith.constant 0 : i32
      %dma_start3A_161 = arith.constant 0 : i32
      %dma_start3A_162 = tpu.memref_slice %arg4[%dma_start3A_160, %add3A_159, %dma_start3A_161] : memref<10x256x1024xf32, #tpu.memory_space<hbm>> -> memref<10x1x1024xf32, #tpu.memory_space<hbm>>
      %dma_start3A_163 = arith.constant 0 : i32
      %dma_start3A_164 = arith.constant 0 : i32
      %dma_start3A_165 = tpu.memref_slice %arg4[%dma_start3A_163, %add3A_159, %dma_start3A_164] : memref<10x256x1024xf32, #tpu.memory_space<hbm>> -> memref<10x1x1024xf32, #tpu.memory_space<hbm>>
      tpu.enqueue_dma source(%arg6 : memref<10x1x1024xf32, #tpu.memory_space<vmem>>) target(%dma_start3A_165 : memref<10x1x1024xf32, #tpu.memory_space<hbm>>) target_semaphore(%arg8 : memref<!tpu.dma_semaphore, #tpu.memory_space<semaphore_mem>>)
    } else {
    }
    %gt3A_63 = arith.constant 9 : i32
    %gt3A_64 = arith.cmpi sgt, %select_n3A, %gt3A_63 : i32
    %convert_element_type3A_65 = arith.extui %gt3A_64 : i1 to i32
    %cond3A_66 = arith.constant 0 : i32
    %cond3A_67 = arith.cmpi ne, %convert_element_type3A_65, %cond3A_66 : i32
    scf.if %cond3A_67 {
      %add3A_158 = arith.constant 9 : i32
      %add3A_159 = arith.addi %select_n3A_8, %add3A_158 : i32
      %dma_start3A_160 = arith.constant 0 : i32
      %dma_start3A_161 = arith.constant 0 : i32
      %dma_start3A_162 = tpu.memref_slice %arg4[%dma_start3A_160, %add3A_159, %dma_start3A_161] : memref<10x256x1024xf32, #tpu.memory_space<hbm>> -> memref<10x1x1024xf32, #tpu.memory_space<hbm>>
      %dma_start3A_163 = arith.constant 0 : i32
      %dma_start3A_164 = arith.constant 0 : i32
      %dma_start3A_165 = tpu.memref_slice %arg4[%dma_start3A_163, %add3A_159, %dma_start3A_164] : memref<10x256x1024xf32, #tpu.memory_space<hbm>> -> memref<10x1x1024xf32, #tpu.memory_space<hbm>>
      tpu.enqueue_dma source(%arg6 : memref<10x1x1024xf32, #tpu.memory_space<vmem>>) target(%dma_start3A_165 : memref<10x1x1024xf32, #tpu.memory_space<hbm>>) target_semaphore(%arg8 : memref<!tpu.dma_semaphore, #tpu.memory_space<semaphore_mem>>)
    } else {
    }
    %gt3A_68 = arith.constant 10 : i32
    %gt3A_69 = arith.cmpi sgt, %select_n3A, %gt3A_68 : i32
    %convert_element_type3A_70 = arith.extui %gt3A_69 : i1 to i32
    %cond3A_71 = arith.constant 0 : i32
    %cond3A_72 = arith.cmpi ne, %convert_element_type3A_70, %cond3A_71 : i32
    scf.if %cond3A_72 {
      %add3A_158 = arith.constant 10 : i32
      %add3A_159 = arith.addi %select_n3A_8, %add3A_158 : i32
      %dma_start3A_160 = arith.constant 0 : i32
      %dma_start3A_161 = arith.constant 0 : i32
      %dma_start3A_162 = tpu.memref_slice %arg4[%dma_start3A_160, %add3A_159, %dma_start3A_161] : memref<10x256x1024xf32, #tpu.memory_space<hbm>> -> memref<10x1x1024xf32, #tpu.memory_space<hbm>>
      %dma_start3A_163 = arith.constant 0 : i32
      %dma_start3A_164 = arith.constant 0 : i32
      %dma_start3A_165 = tpu.memref_slice %arg4[%dma_start3A_163, %add3A_159, %dma_start3A_164] : memref<10x256x1024xf32, #tpu.memory_space<hbm>> -> memref<10x1x1024xf32, #tpu.memory_space<hbm>>
      tpu.enqueue_dma source(%arg6 : memref<10x1x1024xf32, #tpu.memory_space<vmem>>) target(%dma_start3A_165 : memref<10x1x1024xf32, #tpu.memory_space<hbm>>) target_semaphore(%arg8 : memref<!tpu.dma_semaphore, #tpu.memory_space<semaphore_mem>>)
    } else {
    }
    %gt3A_73 = arith.constant 11 : i32
    %gt3A_74 = arith.cmpi sgt, %select_n3A, %gt3A_73 : i32
    %convert_element_type3A_75 = arith.extui %gt3A_74 : i1 to i32
    %cond3A_76 = arith.constant 0 : i32
    %cond3A_77 = arith.cmpi ne, %convert_element_type3A_75, %cond3A_76 : i32
    scf.if %cond3A_77 {
      %add3A_158 = arith.constant 11 : i32
      %add3A_159 = arith.addi %select_n3A_8, %add3A_158 : i32
      %dma_start3A_160 = arith.constant 0 : i32
      %dma_start3A_161 = arith.constant 0 : i32
      %dma_start3A_162 = tpu.memref_slice %arg4[%dma_start3A_160, %add3A_159, %dma_start3A_161] : memref<10x256x1024xf32, #tpu.memory_space<hbm>> -> memref<10x1x1024xf32, #tpu.memory_space<hbm>>
      %dma_start3A_163 = arith.constant 0 : i32
      %dma_start3A_164 = arith.constant 0 : i32
      %dma_start3A_165 = tpu.memref_slice %arg4[%dma_start3A_163, %add3A_159, %dma_start3A_164] : memref<10x256x1024xf32, #tpu.memory_space<hbm>> -> memref<10x1x1024xf32, #tpu.memory_space<hbm>>
      tpu.enqueue_dma source(%arg6 : memref<10x1x1024xf32, #tpu.memory_space<vmem>>) target(%dma_start3A_165 : memref<10x1x1024xf32, #tpu.memory_space<hbm>>) target_semaphore(%arg8 : memref<!tpu.dma_semaphore, #tpu.memory_space<semaphore_mem>>)
    } else {
    }
    %gt3A_78 = arith.constant 12 : i32
    %gt3A_79 = arith.cmpi sgt, %select_n3A, %gt3A_78 : i32
    %convert_element_type3A_80 = arith.extui %gt3A_79 : i1 to i32
    %cond3A_81 = arith.constant 0 : i32
    %cond3A_82 = arith.cmpi ne, %convert_element_type3A_80, %cond3A_81 : i32
    scf.if %cond3A_82 {
      %add3A_158 = arith.constant 12 : i32
      %add3A_159 = arith.addi %select_n3A_8, %add3A_158 : i32
      %dma_start3A_160 = arith.constant 0 : i32
      %dma_start3A_161 = arith.constant 0 : i32
      %dma_start3A_162 = tpu.memref_slice %arg4[%dma_start3A_160, %add3A_159, %dma_start3A_161] : memref<10x256x1024xf32, #tpu.memory_space<hbm>> -> memref<10x1x1024xf32, #tpu.memory_space<hbm>>
      %dma_start3A_163 = arith.constant 0 : i32
      %dma_start3A_164 = arith.constant 0 : i32
      %dma_start3A_165 = tpu.memref_slice %arg4[%dma_start3A_163, %add3A_159, %dma_start3A_164] : memref<10x256x1024xf32, #tpu.memory_space<hbm>> -> memref<10x1x1024xf32, #tpu.memory_space<hbm>>
      tpu.enqueue_dma source(%arg6 : memref<10x1x1024xf32, #tpu.memory_space<vmem>>) target(%dma_start3A_165 : memref<10x1x1024xf32, #tpu.memory_space<hbm>>) target_semaphore(%arg8 : memref<!tpu.dma_semaphore, #tpu.memory_space<semaphore_mem>>)
    } else {
    }
    %gt3A_83 = arith.constant 13 : i32
    %gt3A_84 = arith.cmpi sgt, %select_n3A, %gt3A_83 : i32
    %convert_element_type3A_85 = arith.extui %gt3A_84 : i1 to i32
    %cond3A_86 = arith.constant 0 : i32
    %cond3A_87 = arith.cmpi ne, %convert_element_type3A_85, %cond3A_86 : i32
    scf.if %cond3A_87 {
      %add3A_158 = arith.constant 13 : i32
      %add3A_159 = arith.addi %select_n3A_8, %add3A_158 : i32
      %dma_start3A_160 = arith.constant 0 : i32
      %dma_start3A_161 = arith.constant 0 : i32
      %dma_start3A_162 = tpu.memref_slice %arg4[%dma_start3A_160, %add3A_159, %dma_start3A_161] : memref<10x256x1024xf32, #tpu.memory_space<hbm>> -> memref<10x1x1024xf32, #tpu.memory_space<hbm>>
      %dma_start3A_163 = arith.constant 0 : i32
      %dma_start3A_164 = arith.constant 0 : i32
      %dma_start3A_165 = tpu.memref_slice %arg4[%dma_start3A_163, %add3A_159, %dma_start3A_164] : memref<10x256x1024xf32, #tpu.memory_space<hbm>> -> memref<10x1x1024xf32, #tpu.memory_space<hbm>>
      tpu.enqueue_dma source(%arg6 : memref<10x1x1024xf32, #tpu.memory_space<vmem>>) target(%dma_start3A_165 : memref<10x1x1024xf32, #tpu.memory_space<hbm>>) target_semaphore(%arg8 : memref<!tpu.dma_semaphore, #tpu.memory_space<semaphore_mem>>)
    } else {
    }
    %gt3A_88 = arith.constant 0 : i32
    %gt3A_89 = arith.cmpi sgt, %select_n3A, %gt3A_88 : i32
    %convert_element_type3A_90 = arith.extui %gt3A_89 : i1 to i32
    %cond3A_91 = arith.constant 0 : i32
    %cond3A_92 = arith.cmpi ne, %convert_element_type3A_90, %cond3A_91 : i32
    scf.if %cond3A_92 {
      %add3A_158 = arith.constant 0 : i32
      %add3A_159 = arith.addi %select_n3A_8, %add3A_158 : i32
      %dma_wait3A_160 = arith.constant 0 : i32
      %dma_wait3A_161 = arith.constant 0 : i32
      %dma_wait3A_162 = tpu.memref_slice %arg4[%dma_wait3A_160, %add3A_159, %dma_wait3A_161] : memref<10x256x1024xf32, #tpu.memory_space<hbm>> -> memref<10x1x1024xf32, #tpu.memory_space<hbm>>
      %dma_wait3A_163 = arith.constant 0 : i32
      %dma_wait3A_164 = arith.constant 0 : i32
      %dma_wait3A_165 = tpu.memref_slice %arg4[%dma_wait3A_163, %add3A_159, %dma_wait3A_164] : memref<10x256x1024xf32, #tpu.memory_space<hbm>> -> memref<10x1x1024xf32, #tpu.memory_space<hbm>>
      tpu.wait_dma2 semaphore(%arg8 : memref<!tpu.dma_semaphore, #tpu.memory_space<semaphore_mem>>) src(%arg6 : memref<10x1x1024xf32, #tpu.memory_space<vmem>>) dst(%dma_wait3A_165 : memref<10x1x1024xf32, #tpu.memory_space<hbm>>)
    } else {
    }
    %gt3A_93 = arith.constant 1 : i32
    %gt3A_94 = arith.cmpi sgt, %select_n3A, %gt3A_93 : i32
    %convert_element_type3A_95 = arith.extui %gt3A_94 : i1 to i32
    %cond3A_96 = arith.constant 0 : i32
    %cond3A_97 = arith.cmpi ne, %convert_element_type3A_95, %cond3A_96 : i32
    scf.if %cond3A_97 {
      %add3A_158 = arith.constant 1 : i32
      %add3A_159 = arith.addi %select_n3A_8, %add3A_158 : i32
      %dma_wait3A_160 = arith.constant 0 : i32
      %dma_wait3A_161 = arith.constant 0 : i32
      %dma_wait3A_162 = tpu.memref_slice %arg4[%dma_wait3A_160, %add3A_159, %dma_wait3A_161] : memref<10x256x1024xf32, #tpu.memory_space<hbm>> -> memref<10x1x1024xf32, #tpu.memory_space<hbm>>
      %dma_wait3A_163 = arith.constant 0 : i32
      %dma_wait3A_164 = arith.constant 0 : i32
      %dma_wait3A_165 = tpu.memref_slice %arg4[%dma_wait3A_163, %add3A_159, %dma_wait3A_164] : memref<10x256x1024xf32, #tpu.memory_space<hbm>> -> memref<10x1x1024xf32, #tpu.memory_space<hbm>>
      tpu.wait_dma2 semaphore(%arg8 : memref<!tpu.dma_semaphore, #tpu.memory_space<semaphore_mem>>) src(%arg6 : memref<10x1x1024xf32, #tpu.memory_space<vmem>>) dst(%dma_wait3A_165 : memref<10x1x1024xf32, #tpu.memory_space<hbm>>)
    } else {
    }
    %gt3A_98 = arith.constant 2 : i32
    %gt3A_99 = arith.cmpi sgt, %select_n3A, %gt3A_98 : i32
    %convert_element_type3A_100 = arith.extui %gt3A_99 : i1 to i32
    %cond3A_101 = arith.constant 0 : i32
    %cond3A_102 = arith.cmpi ne, %convert_element_type3A_100, %cond3A_101 : i32
    scf.if %cond3A_102 {
      %add3A_158 = arith.constant 2 : i32
      %add3A_159 = arith.addi %select_n3A_8, %add3A_158 : i32
      %dma_wait3A_160 = arith.constant 0 : i32
      %dma_wait3A_161 = arith.constant 0 : i32
      %dma_wait3A_162 = tpu.memref_slice %arg4[%dma_wait3A_160, %add3A_159, %dma_wait3A_161] : memref<10x256x1024xf32, #tpu.memory_space<hbm>> -> memref<10x1x1024xf32, #tpu.memory_space<hbm>>
      %dma_wait3A_163 = arith.constant 0 : i32
      %dma_wait3A_164 = arith.constant 0 : i32
      %dma_wait3A_165 = tpu.memref_slice %arg4[%dma_wait3A_163, %add3A_159, %dma_wait3A_164] : memref<10x256x1024xf32, #tpu.memory_space<hbm>> -> memref<10x1x1024xf32, #tpu.memory_space<hbm>>
      tpu.wait_dma2 semaphore(%arg8 : memref<!tpu.dma_semaphore, #tpu.memory_space<semaphore_mem>>) src(%arg6 : memref<10x1x1024xf32, #tpu.memory_space<vmem>>) dst(%dma_wait3A_165 : memref<10x1x1024xf32, #tpu.memory_space<hbm>>)
    } else {
    }
    %gt3A_103 = arith.constant 3 : i32
    %gt3A_104 = arith.cmpi sgt, %select_n3A, %gt3A_103 : i32
    %convert_element_type3A_105 = arith.extui %gt3A_104 : i1 to i32
    %cond3A_106 = arith.constant 0 : i32
    %cond3A_107 = arith.cmpi ne, %convert_element_type3A_105, %cond3A_106 : i32
    scf.if %cond3A_107 {
      %add3A_158 = arith.constant 3 : i32
      %add3A_159 = arith.addi %select_n3A_8, %add3A_158 : i32
      %dma_wait3A_160 = arith.constant 0 : i32
      %dma_wait3A_161 = arith.constant 0 : i32
      %dma_wait3A_162 = tpu.memref_slice %arg4[%dma_wait3A_160, %add3A_159, %dma_wait3A_161] : memref<10x256x1024xf32, #tpu.memory_space<hbm>> -> memref<10x1x1024xf32, #tpu.memory_space<hbm>>
      %dma_wait3A_163 = arith.constant 0 : i32
      %dma_wait3A_164 = arith.constant 0 : i32
      %dma_wait3A_165 = tpu.memref_slice %arg4[%dma_wait3A_163, %add3A_159, %dma_wait3A_164] : memref<10x256x1024xf32, #tpu.memory_space<hbm>> -> memref<10x1x1024xf32, #tpu.memory_space<hbm>>
      tpu.wait_dma2 semaphore(%arg8 : memref<!tpu.dma_semaphore, #tpu.memory_space<semaphore_mem>>) src(%arg6 : memref<10x1x1024xf32, #tpu.memory_space<vmem>>) dst(%dma_wait3A_165 : memref<10x1x1024xf32, #tpu.memory_space<hbm>>)
    } else {
    }
    %gt3A_108 = arith.constant 4 : i32
    %gt3A_109 = arith.cmpi sgt, %select_n3A, %gt3A_108 : i32
    %convert_element_type3A_110 = arith.extui %gt3A_109 : i1 to i32
    %cond3A_111 = arith.constant 0 : i32
    %cond3A_112 = arith.cmpi ne, %convert_element_type3A_110, %cond3A_111 : i32
    scf.if %cond3A_112 {
      %add3A_158 = arith.constant 4 : i32
      %add3A_159 = arith.addi %select_n3A_8, %add3A_158 : i32
      %dma_wait3A_160 = arith.constant 0 : i32
      %dma_wait3A_161 = arith.constant 0 : i32
      %dma_wait3A_162 = tpu.memref_slice %arg4[%dma_wait3A_160, %add3A_159, %dma_wait3A_161] : memref<10x256x1024xf32, #tpu.memory_space<hbm>> -> memref<10x1x1024xf32, #tpu.memory_space<hbm>>
      %dma_wait3A_163 = arith.constant 0 : i32
      %dma_wait3A_164 = arith.constant 0 : i32
      %dma_wait3A_165 = tpu.memref_slice %arg4[%dma_wait3A_163, %add3A_159, %dma_wait3A_164] : memref<10x256x1024xf32, #tpu.memory_space<hbm>> -> memref<10x1x1024xf32, #tpu.memory_space<hbm>>
      tpu.wait_dma2 semaphore(%arg8 : memref<!tpu.dma_semaphore, #tpu.memory_space<semaphore_mem>>) src(%arg6 : memref<10x1x1024xf32, #tpu.memory_space<vmem>>) dst(%dma_wait3A_165 : memref<10x1x1024xf32, #tpu.memory_space<hbm>>)
    } else {
    }
    %gt3A_113 = arith.constant 5 : i32
    %gt3A_114 = arith.cmpi sgt, %select_n3A, %gt3A_113 : i32
    %convert_element_type3A_115 = arith.extui %gt3A_114 : i1 to i32
    %cond3A_116 = arith.constant 0 : i32
    %cond3A_117 = arith.cmpi ne, %convert_element_type3A_115, %cond3A_116 : i32
    scf.if %cond3A_117 {
      %add3A_158 = arith.constant 5 : i32
      %add3A_159 = arith.addi %select_n3A_8, %add3A_158 : i32
      %dma_wait3A_160 = arith.constant 0 : i32
      %dma_wait3A_161 = arith.constant 0 : i32
      %dma_wait3A_162 = tpu.memref_slice %arg4[%dma_wait3A_160, %add3A_159, %dma_wait3A_161] : memref<10x256x1024xf32, #tpu.memory_space<hbm>> -> memref<10x1x1024xf32, #tpu.memory_space<hbm>>
      %dma_wait3A_163 = arith.constant 0 : i32
      %dma_wait3A_164 = arith.constant 0 : i32
      %dma_wait3A_165 = tpu.memref_slice %arg4[%dma_wait3A_163, %add3A_159, %dma_wait3A_164] : memref<10x256x1024xf32, #tpu.memory_space<hbm>> -> memref<10x1x1024xf32, #tpu.memory_space<hbm>>
      tpu.wait_dma2 semaphore(%arg8 : memref<!tpu.dma_semaphore, #tpu.memory_space<semaphore_mem>>) src(%arg6 : memref<10x1x1024xf32, #tpu.memory_space<vmem>>) dst(%dma_wait3A_165 : memref<10x1x1024xf32, #tpu.memory_space<hbm>>)
    } else {
    }
    %gt3A_118 = arith.constant 6 : i32
    %gt3A_119 = arith.cmpi sgt, %select_n3A, %gt3A_118 : i32
    %convert_element_type3A_120 = arith.extui %gt3A_119 : i1 to i32
    %cond3A_121 = arith.constant 0 : i32
    %cond3A_122 = arith.cmpi ne, %convert_element_type3A_120, %cond3A_121 : i32
    scf.if %cond3A_122 {
      %add3A_158 = arith.constant 6 : i32
      %add3A_159 = arith.addi %select_n3A_8, %add3A_158 : i32
      %dma_wait3A_160 = arith.constant 0 : i32
      %dma_wait3A_161 = arith.constant 0 : i32
      %dma_wait3A_162 = tpu.memref_slice %arg4[%dma_wait3A_160, %add3A_159, %dma_wait3A_161] : memref<10x256x1024xf32, #tpu.memory_space<hbm>> -> memref<10x1x1024xf32, #tpu.memory_space<hbm>>
      %dma_wait3A_163 = arith.constant 0 : i32
      %dma_wait3A_164 = arith.constant 0 : i32
      %dma_wait3A_165 = tpu.memref_slice %arg4[%dma_wait3A_163, %add3A_159, %dma_wait3A_164] : memref<10x256x1024xf32, #tpu.memory_space<hbm>> -> memref<10x1x1024xf32, #tpu.memory_space<hbm>>
      tpu.wait_dma2 semaphore(%arg8 : memref<!tpu.dma_semaphore, #tpu.memory_space<semaphore_mem>>) src(%arg6 : memref<10x1x1024xf32, #tpu.memory_space<vmem>>) dst(%dma_wait3A_165 : memref<10x1x1024xf32, #tpu.memory_space<hbm>>)
    } else {
    }
    %gt3A_123 = arith.constant 7 : i32
    %gt3A_124 = arith.cmpi sgt, %select_n3A, %gt3A_123 : i32
    %convert_element_type3A_125 = arith.extui %gt3A_124 : i1 to i32
    %cond3A_126 = arith.constant 0 : i32
    %cond3A_127 = arith.cmpi ne, %convert_element_type3A_125, %cond3A_126 : i32
    scf.if %cond3A_127 {
      %add3A_158 = arith.constant 7 : i32
      %add3A_159 = arith.addi %select_n3A_8, %add3A_158 : i32
      %dma_wait3A_160 = arith.constant 0 : i32
      %dma_wait3A_161 = arith.constant 0 : i32
      %dma_wait3A_162 = tpu.memref_slice %arg4[%dma_wait3A_160, %add3A_159, %dma_wait3A_161] : memref<10x256x1024xf32, #tpu.memory_space<hbm>> -> memref<10x1x1024xf32, #tpu.memory_space<hbm>>
      %dma_wait3A_163 = arith.constant 0 : i32
      %dma_wait3A_164 = arith.constant 0 : i32
      %dma_wait3A_165 = tpu.memref_slice %arg4[%dma_wait3A_163, %add3A_159, %dma_wait3A_164] : memref<10x256x1024xf32, #tpu.memory_space<hbm>> -> memref<10x1x1024xf32, #tpu.memory_space<hbm>>
      tpu.wait_dma2 semaphore(%arg8 : memref<!tpu.dma_semaphore, #tpu.memory_space<semaphore_mem>>) src(%arg6 : memref<10x1x1024xf32, #tpu.memory_space<vmem>>) dst(%dma_wait3A_165 : memref<10x1x1024xf32, #tpu.memory_space<hbm>>)
    } else {
    }
    %gt3A_128 = arith.constant 8 : i32
    %gt3A_129 = arith.cmpi sgt, %select_n3A, %gt3A_128 : i32
    %convert_element_type3A_130 = arith.extui %gt3A_129 : i1 to i32
    %cond3A_131 = arith.constant 0 : i32
    %cond3A_132 = arith.cmpi ne, %convert_element_type3A_130, %cond3A_131 : i32
    scf.if %cond3A_132 {
      %add3A_158 = arith.constant 8 : i32
      %add3A_159 = arith.addi %select_n3A_8, %add3A_158 : i32
      %dma_wait3A_160 = arith.constant 0 : i32
      %dma_wait3A_161 = arith.constant 0 : i32
      %dma_wait3A_162 = tpu.memref_slice %arg4[%dma_wait3A_160, %add3A_159, %dma_wait3A_161] : memref<10x256x1024xf32, #tpu.memory_space<hbm>> -> memref<10x1x1024xf32, #tpu.memory_space<hbm>>
      %dma_wait3A_163 = arith.constant 0 : i32
      %dma_wait3A_164 = arith.constant 0 : i32
      %dma_wait3A_165 = tpu.memref_slice %arg4[%dma_wait3A_163, %add3A_159, %dma_wait3A_164] : memref<10x256x1024xf32, #tpu.memory_space<hbm>> -> memref<10x1x1024xf32, #tpu.memory_space<hbm>>
      tpu.wait_dma2 semaphore(%arg8 : memref<!tpu.dma_semaphore, #tpu.memory_space<semaphore_mem>>) src(%arg6 : memref<10x1x1024xf32, #tpu.memory_space<vmem>>) dst(%dma_wait3A_165 : memref<10x1x1024xf32, #tpu.memory_space<hbm>>)
    } else {
    }
    %gt3A_133 = arith.constant 9 : i32
    %gt3A_134 = arith.cmpi sgt, %select_n3A, %gt3A_133 : i32
    %convert_element_type3A_135 = arith.extui %gt3A_134 : i1 to i32
    %cond3A_136 = arith.constant 0 : i32
    %cond3A_137 = arith.cmpi ne, %convert_element_type3A_135, %cond3A_136 : i32
    scf.if %cond3A_137 {
      %add3A_158 = arith.constant 9 : i32
      %add3A_159 = arith.addi %select_n3A_8, %add3A_158 : i32
      %dma_wait3A_160 = arith.constant 0 : i32
      %dma_wait3A_161 = arith.constant 0 : i32
      %dma_wait3A_162 = tpu.memref_slice %arg4[%dma_wait3A_160, %add3A_159, %dma_wait3A_161] : memref<10x256x1024xf32, #tpu.memory_space<hbm>> -> memref<10x1x1024xf32, #tpu.memory_space<hbm>>
      %dma_wait3A_163 = arith.constant 0 : i32
      %dma_wait3A_164 = arith.constant 0 : i32
      %dma_wait3A_165 = tpu.memref_slice %arg4[%dma_wait3A_163, %add3A_159, %dma_wait3A_164] : memref<10x256x1024xf32, #tpu.memory_space<hbm>> -> memref<10x1x1024xf32, #tpu.memory_space<hbm>>
      tpu.wait_dma2 semaphore(%arg8 : memref<!tpu.dma_semaphore, #tpu.memory_space<semaphore_mem>>) src(%arg6 : memref<10x1x1024xf32, #tpu.memory_space<vmem>>) dst(%dma_wait3A_165 : memref<10x1x1024xf32, #tpu.memory_space<hbm>>)
    } else {
    }
    %gt3A_138 = arith.constant 10 : i32
    %gt3A_139 = arith.cmpi sgt, %select_n3A, %gt3A_138 : i32
    %convert_element_type3A_140 = arith.extui %gt3A_139 : i1 to i32
    %cond3A_141 = arith.constant 0 : i32
    %cond3A_142 = arith.cmpi ne, %convert_element_type3A_140, %cond3A_141 : i32
    scf.if %cond3A_142 {
      %add3A_158 = arith.constant 10 : i32
      %add3A_159 = arith.addi %select_n3A_8, %add3A_158 : i32
      %dma_wait3A_160 = arith.constant 0 : i32
      %dma_wait3A_161 = arith.constant 0 : i32
      %dma_wait3A_162 = tpu.memref_slice %arg4[%dma_wait3A_160, %add3A_159, %dma_wait3A_161] : memref<10x256x1024xf32, #tpu.memory_space<hbm>> -> memref<10x1x1024xf32, #tpu.memory_space<hbm>>
      %dma_wait3A_163 = arith.constant 0 : i32
      %dma_wait3A_164 = arith.constant 0 : i32
      %dma_wait3A_165 = tpu.memref_slice %arg4[%dma_wait3A_163, %add3A_159, %dma_wait3A_164] : memref<10x256x1024xf32, #tpu.memory_space<hbm>> -> memref<10x1x1024xf32, #tpu.memory_space<hbm>>
      tpu.wait_dma2 semaphore(%arg8 : memref<!tpu.dma_semaphore, #tpu.memory_space<semaphore_mem>>) src(%arg6 : memref<10x1x1024xf32, #tpu.memory_space<vmem>>) dst(%dma_wait3A_165 : memref<10x1x1024xf32, #tpu.memory_space<hbm>>)
    } else {
    }
    %gt3A_143 = arith.constant 11 : i32
    %gt3A_144 = arith.cmpi sgt, %select_n3A, %gt3A_143 : i32
    %convert_element_type3A_145 = arith.extui %gt3A_144 : i1 to i32
    %cond3A_146 = arith.constant 0 : i32
    %cond3A_147 = arith.cmpi ne, %convert_element_type3A_145, %cond3A_146 : i32
    scf.if %cond3A_147 {
      %add3A_158 = arith.constant 11 : i32
      %add3A_159 = arith.addi %select_n3A_8, %add3A_158 : i32
      %dma_wait3A_160 = arith.constant 0 : i32
      %dma_wait3A_161 = arith.constant 0 : i32
      %dma_wait3A_162 = tpu.memref_slice %arg4[%dma_wait3A_160, %add3A_159, %dma_wait3A_161] : memref<10x256x1024xf32, #tpu.memory_space<hbm>> -> memref<10x1x1024xf32, #tpu.memory_space<hbm>>
      %dma_wait3A_163 = arith.constant 0 : i32
      %dma_wait3A_164 = arith.constant 0 : i32
      %dma_wait3A_165 = tpu.memref_slice %arg4[%dma_wait3A_163, %add3A_159, %dma_wait3A_164] : memref<10x256x1024xf32, #tpu.memory_space<hbm>> -> memref<10x1x1024xf32, #tpu.memory_space<hbm>>
      tpu.wait_dma2 semaphore(%arg8 : memref<!tpu.dma_semaphore, #tpu.memory_space<semaphore_mem>>) src(%arg6 : memref<10x1x1024xf32, #tpu.memory_space<vmem>>) dst(%dma_wait3A_165 : memref<10x1x1024xf32, #tpu.memory_space<hbm>>)
    } else {
    }
    %gt3A_148 = arith.constant 12 : i32
    %gt3A_149 = arith.cmpi sgt, %select_n3A, %gt3A_148 : i32
    %convert_element_type3A_150 = arith.extui %gt3A_149 : i1 to i32
    %cond3A_151 = arith.constant 0 : i32
    %cond3A_152 = arith.cmpi ne, %convert_element_type3A_150, %cond3A_151 : i32
    scf.if %cond3A_152 {
      %add3A_158 = arith.constant 12 : i32
      %add3A_159 = arith.addi %select_n3A_8, %add3A_158 : i32
      %dma_wait3A_160 = arith.constant 0 : i32
      %dma_wait3A_161 = arith.constant 0 : i32
      %dma_wait3A_162 = tpu.memref_slice %arg4[%dma_wait3A_160, %add3A_159, %dma_wait3A_161] : memref<10x256x1024xf32, #tpu.memory_space<hbm>> -> memref<10x1x1024xf32, #tpu.memory_space<hbm>>
      %dma_wait3A_163 = arith.constant 0 : i32
      %dma_wait3A_164 = arith.constant 0 : i32
      %dma_wait3A_165 = tpu.memref_slice %arg4[%dma_wait3A_163, %add3A_159, %dma_wait3A_164] : memref<10x256x1024xf32, #tpu.memory_space<hbm>> -> memref<10x1x1024xf32, #tpu.memory_space<hbm>>
      tpu.wait_dma2 semaphore(%arg8 : memref<!tpu.dma_semaphore, #tpu.memory_space<semaphore_mem>>) src(%arg6 : memref<10x1x1024xf32, #tpu.memory_space<vmem>>) dst(%dma_wait3A_165 : memref<10x1x1024xf32, #tpu.memory_space<hbm>>)
    } else {
    }
    %gt3A_153 = arith.constant 13 : i32
    %gt3A_154 = arith.cmpi sgt, %select_n3A, %gt3A_153 : i32
    %convert_element_type3A_155 = arith.extui %gt3A_154 : i1 to i32
    %cond3A_156 = arith.constant 0 : i32
    %cond3A_157 = arith.cmpi ne, %convert_element_type3A_155, %cond3A_156 : i32
    scf.if %cond3A_157 {
      %add3A_158 = arith.constant 13 : i32
      %add3A_159 = arith.addi %select_n3A_8, %add3A_158 : i32
      %dma_wait3A_160 = arith.constant 0 : i32
      %dma_wait3A_161 = arith.constant 0 : i32
      %dma_wait3A_162 = tpu.memref_slice %arg4[%dma_wait3A_160, %add3A_159, %dma_wait3A_161] : memref<10x256x1024xf32, #tpu.memory_space<hbm>> -> memref<10x1x1024xf32, #tpu.memory_space<hbm>>
      %dma_wait3A_163 = arith.constant 0 : i32
      %dma_wait3A_164 = arith.constant 0 : i32
      %dma_wait3A_165 = tpu.memref_slice %arg4[%dma_wait3A_163, %add3A_159, %dma_wait3A_164] : memref<10x256x1024xf32, #tpu.memory_space<hbm>> -> memref<10x1x1024xf32, #tpu.memory_space<hbm>>
      tpu.wait_dma2 semaphore(%arg8 : memref<!tpu.dma_semaphore, #tpu.memory_space<semaphore_mem>>) src(%arg6 : memref<10x1x1024xf32, #tpu.memory_space<vmem>>) dst(%dma_wait3A_165 : memref<10x1x1024xf32, #tpu.memory_space<hbm>>)
    } else {
    }
    return
  }
}

</mosaic_0001>

<sc_bundles>
// kernel: kernel.3.cloned.1.call-start
scs
__scs_entry_jumppad:
0x0: {  	(pc) =	sbr.rel $0x88, $3  }
0x1: {  	(tag) =	ssettag $0x0;
	lr =	simm.s32 $0x1  }
0x2: {  	[smem:$0x3F9F] =	sst lr;
	_ =	strace $0xD0000000  }
0x3: {  	_ = 	snop  }
0x4: {  	_ = 	snop  }
0x5: {  	_ = 	snop  }
0x6: {  	_ = 	snop  }
0x7: {  	_ = 	snop  }
__scs_overlays_trampoline_lowered:
0x8: {  	[smem:$0x3FAE] =	sst s0  }
0x9: {  	[smem:$0x3FAF] =	sst s1  }
0xa: {  	[smem:$0x3FB0] =	sst s2  }
0xb: {  	[smem:$0x3FB1] =	sst s3  }
0xc: {  	[smem:$0x3FB2] =	sst s4  }
0xd: {  	[smem:$0x3FB3] =	sst s5  }
0xe: {  	[smem:$0x3FB4] =	sst s6  }
0xf: {  	[smem:$0x3FB5] =	sst s7  }
0x10: {  	[smem:$0x3FB6] =	sst s8  }
0x11: {  	[smem:$0x3FB7] =	sst s9;
	s0 =	simm.s32 @!p0 $0x0  }
0x12: {  	s1 =	sld [smem:$0x3F9D];
	s0 =	simm.s32 @p0 $0x1  }
0x13: {  	[smem:$0x3FB8] =	sst s0;
	s0 =	simm.s32 @!p1 $0x0  }
0x14: {  	s2 =	sld [smem:$0x3F9C];
	s0 =	simm.s32 @p1 $0x1  }
0x15: {  	[smem:$0x3FB9] =	sst s0;
	s0 =	simm.s32 @!p2 $0x0  }
0x16: {  	s3 =	sld [smem:$0x3FDB];
	s0 =	simm.s32 @p2 $0x1  }
0x17: {  	s4 =	simm.s32 $0x1BF5;
	[smem:$0x3FBB] =	sst s0  }
0x18: {  	s0 =	sld [smem:$0x3F9E];
	_ =	swait.ge [sflag:s4], $0x0  }
0x19: {  	s7 =	sld [smem:$0x3F9F]  }
0x1a: {  	s8 =	sadd.s32 $0xFFFFE003, lr  }
0x1b: {  	s9 =	sadd.s32 $0xFFFFFEF7, lr;
	s5 =	simm.s32 $0xFFFFFFFF;
	p2 =	slt.u32 s8, $0xFFFFF086  }
0x1c: {  	p1 =	slt.u32 s9, $0xF7A;
	s5 =	simm.s32 @!p2 $0x0  }
0x1d: {  	s5 =	simm.s32 @p1 $0x1;
	p0 =	seq.s32 s7, s2  }
0x1e: {  	s7 =	smul.u32 @!p0 $0xF7A, s2;
	p2 =	seq.s32 @!p0 s5, $0x0  }
0x1f: {  	s9 =	smul.u32 $0xF7A, s1;
	s8 =	simm.s32 @!p0 $0x1BF5;
	p2 =	por !p2, p0  }
0x20: {  	[sflag:s8] =	ssyncset.s32 @!p0 $0xFFFFF086;
	s6 =	sadd.s32 @!p0 s3, s7;
	s7 =	simm.s32 @!p0 $0x108  }
0x21: {  	s3 =	sadd.s32 s3, s9;
	s6 =	sadd.s32 @!p0 $0x88, s6;
	s7 =	simm.s32 @p2 $0x1082  }
0x22: {  	[simem:s7], [sflag:s8] =	dma.local @!p0 [hbm:s6], $0xF7A  }
0x23: {  	s9 =	sor.u32 $0xD0000000, s2;
	s6 =	simm.s32 $0x108;
	_ =	swait.ge @!p0 [sflag:s8], $0x0  }
0x24: {  	s3 =	sadd.s32 $0x88, s3;
	s6 =	simm.s32 @!p1 $0x1082;
	[sflag:s4] =	ssyncset.s32 $0xFFFFF086  }
0x25: {  	[simem:s6], [sflag:s4] =	dma.local [hbm:s3], $0xF7A  }
0x26: {  	[smem:$0x3F9F] =	sst s1;
	(tag) =	ssettag s2;
	_ =	strace s9  }
0x27: {  	s1 =	sld [smem:$0x3FAF]  }
0x28: {  	s2 =	sld [smem:$0x3FB0]  }
0x29: {  	s4 =	sld [smem:$0x3FB2]  }
0x2a: {  	p0 =	seq.s32 s5, $0x0;
	s5 =	sld [smem:$0x3FB3]  }
0x2b: {  	s6 =	sld [smem:$0x3FB4]  }
0x2c: {  	s7 =	sld [smem:$0x3FB5]  }
0x2d: {  	s3 =	simm.s32 $0x108;
	s8 =	sld [smem:$0x3FB6]  }
0x2e: {  	s3 =	simm.s32 @!p0 $0x1082;
	s9 =	sld [smem:$0x3FB7]  }
0x2f: {  	lr =	sadd.s32 s0, s3;
	s0 =	sld [smem:$0x3FAE]  }
0x30: {  	s3 =	sld [smem:$0x3FB1]  }
0x31: {  	[smem:$0x3FBA] =	sst s10  }
0x32: {  	s10 =	sld [smem:$0x3FB8];
	_ =	sdelay $0x3  }
0x33: {  	p0 =	seq.s32 s10, $0x1;
	s10 =	sld [smem:$0x3FBA];
	_ =	sdelay $0x3  }
0x34: {  	[smem:$0x3FBA] =	sst s10  }
0x35: {  	s10 =	sld [smem:$0x3FB9];
	_ =	sdelay $0x3  }
0x36: {  	p1 =	seq.s32 s10, $0x1;
	s10 =	sld [smem:$0x3FBA];
	_ =	sdelay $0x3  }
0x37: {  	[smem:$0x3FBA] =	sst s10  }
0x38: {  	s10 =	sld [smem:$0x3FBB]  }
0x39: {  	_ = 	snop;
	(pc) =	sbr.ind lr, $3  }
0x3a: {  	_ = 	snop  }
0x3b: {  	_ = 	snop  }
0x3c: {  	p2 =	seq.s32 s10, $0x1;
	s10 =	sld [smem:$0x3FBA]  }
0x3d: {  	_ =	shalt  }
0x3e: {  	_ =	shalt  }
0x3f: {  	_ =	shalt  }
0x40: {  	_ =	shalt  }
0x41: {  	_ =	shalt  }
0x42: {  	_ =	shalt  }
0x43: {  	_ =	shalt  }
0x44: {  	_ =	shalt  }
0x45: {  	_ =	shalt  }
0x46: {  	_ =	shalt  }
0x47: {  	_ =	shalt  }
0x48: {  	_ =	shalt  }
0x49: {  	_ =	shalt  }
0x4a: {  	_ =	shalt  }
0x4b: {  	_ =	shalt  }
0x4c: {  	_ =	shalt  }
0x4d: {  	_ =	shalt  }
0x4e: {  	_ =	shalt  }
0x4f: {  	_ =	shalt  }
0x50: {  	_ =	shalt  }
0x51: {  	_ =	shalt  }
0x52: {  	_ =	shalt  }
0x53: {  	_ =	shalt  }
0x54: {  	_ =	shalt  }
0x55: {  	_ =	shalt  }
0x56: {  	_ =	shalt  }
0x57: {  	_ =	shalt  }
0x58: {  	_ =	shalt  }
0x59: {  	_ =	shalt  }
0x5a: {  	_ =	shalt  }
0x5b: {  	_ =	shalt  }
0x5c: {  	_ =	shalt  }
0x5d: {  	_ =	shalt  }
0x5e: {  	_ =	shalt  }
0x5f: {  	_ =	shalt  }
0x60: {  	_ =	shalt  }
0x61: {  	_ =	shalt  }
0x62: {  	_ =	shalt  }
0x63: {  	_ =	shalt  }
0x64: {  	_ =	shalt  }
0x65: {  	_ =	shalt  }
0x66: {  	_ =	shalt  }
0x67: {  	_ =	shalt  }
0x68: {  	_ =	shalt  }
0x69: {  	_ =	shalt  }
0x6a: {  	_ =	shalt  }
0x6b: {  	_ =	shalt  }
0x6c: {  	_ =	shalt  }
0x6d: {  	_ =	shalt  }
0x6e: {  	_ =	shalt  }
0x6f: {  	_ =	shalt  }
0x70: {  	_ =	shalt  }
0x71: {  	_ =	shalt  }
0x72: {  	_ =	shalt  }
0x73: {  	_ =	shalt  }
0x74: {  	_ =	shalt  }
0x75: {  	_ =	shalt  }
0x76: {  	_ =	shalt  }
0x77: {  	_ =	shalt  }
0x78: {  	_ =	shalt  }
0x79: {  	_ =	shalt  }
0x7a: {  	_ =	shalt  }
0x7b: {  	_ =	shalt  }
0x7c: {  	_ =	shalt  }
0x7d: {  	_ =	shalt  }
0x7e: {  	_ =	shalt  }
0x7f: {  	_ =	shalt  }
0x80: {  	_ =	shalt  }
0x81: {  	_ =	shalt  }
0x82: {  	_ =	shalt  }
0x83: {  	_ =	shalt  }
0x84: {  	_ =	shalt  }
0x85: {  	_ =	shalt  }
0x86: {  	_ =	shalt  }
0x87: {  	_ =	shalt  }
.Lfunc_end0:
.L_simem_size_0:
called_computation_lowered:
.L_overlay_start_0:
0x88: {  	s2 =	sld [smem:$0x3FD9]  }
0x89: {  	s3 =	sld [smem:$0x3FFE];
	_ =	sdelay $0x1  }
0x8a: {  	s1 =	srdreg.scid  }
0x8b: {  	s0 =	sand.u32 $0x1, s1  }
0x8c: {  	s17 =	sshll.u32 s0, $0xA;
	s2 =	sadd.s32 s3, s2  }
0x8d: {  	s2 =	sadd.s32 s2, s17  }
0x8e: {  	[smem:$0x3FC6] =	sst s2  }
0x8f: {  	_ = 	snop  }
0x90: {  	s2 =	sld [smem:$0x3FC9]  }
0x91: {  	s18 =	sld [smem:$0x3FD0];
	(tm) =	ssettm $0x1  }
0x92: {  	s4 =	sld [smem:$0x3FFB];
	_ =	sdelay $0x3  }
0x93: {  	_ =	strace s4  }
0x94: {  	s4 =	sld [smem:$0x3FFC];
	_ =	sdelay $0x3  }
0x95: {  	_ =	strace s4  }
0x96: {  	s4 =	sld [smem:$0x3FFD];
	_ =	sdelay $0x3  }
0x97: {  	_ =	strace s4  }
0x98: {  	_ =	strace $0x8FFFFFFF  }
0x99: {  	s19 =	sld [smem:$0x3FDB];
	_ =	sdelay $0x1  }
0x9a: {  	s5 =	simm.s32 $_scs_section_size  }
0x9b: {  	s6 =	simm.s32 $_size__tile_overlayer_lowered;
	s7 =	simm.s32 $_tile_overlayer_lowered  }
0x9c: {  	s22 =	simm.s32 $0x1BFF;
	s21 =	sshll.u32 s7, $0x1;
	s4 =	sadd.s32 s5, s19  }
0x9d: {  	s8 =	simm.s32 $0x0;
	s20 =	sshll.u32 s6, $0x1;
	s6 =	sadd.s32 s21, s4  }
0x9e: {  	[timem:s8], [sflag:s22] =	dma.local [hbm:s6], s20  }
0x9f: {  	_ =	swait.ge [sflag:s22], s20  }
0xa0: {  	s5 =	ssub.s32 $0x0, s20;
	[sflag:s22] =	ssyncset.done $0x0  }
0xa1: {  	[sflag:s22] =	ssyncadd.s32 s5;
	_ =	sdelay $0x1  }
0xa2: {  	s23 =	simm.s32 $0x1B8B  }
0xa3: {  	_ =	swait.ge [sflag:s23], $0x1  }
0xa4: {  	[sflag:s23] =	ssyncset.done $0x0  }
0xa5: {  	s25 =	simm.s32 $0x1B8E;
	s24 =	sld [smem:$0x3FFE];
	[sflag:s23] =	ssyncadd.s32 $0xFFFFFFFF  }
0xa6: {  	s26 =	simm.s32 $execute0_lowered;
	[smem:$0x3FD2] =	sst s25  }
0xa7: {  	s6 =	sshll.u32 s26, $0x1;
	_ =	strace $0x80000046;
	[dreg:$0x1] =	wrdreg $0xFFFFFFFF  }
0xa8: {  	s28 =	simm.s32 $_size_execute0_lowered;
	s4 =	sadd.s32 s4, s6;
	[dreg:$0x0] =	wrdreg $0x0  }
0xa9: {  	s6 =	sshll.u32 s28, $0x1;
	[dreg:$0x2] =	wrdreg s4  }
0xaa: {  	[dreg:$0x3] =	wrdreg s6  }
0xab: {  	[dreg:$0x4] =	wrdreg $0xC0  }
0xac: {  	_ =	task [dreg:s8], $0x5FFFF  }
0xad: {  	[dreg:$0x1] =	wrdreg $0xFFFFFFFF  }
0xae: {  	[dreg:$0x0] =	wrdreg $0x60  }
0xaf: {  	[dreg:$0x2] =	wrdreg s2  }
0xb0: {  	[dreg:$0x3] =	wrdreg s24  }
0xb1: {  	[dreg:$0x4] =	wrdreg s18  }
0xb2: {  	[dreg:$0x5] =	wrdreg $0x9  }
0xb3: {  	_ =	task.clear_ibuf [dreg:s8], $0x6FFFF;
	_ =	strace $0x90000046  }
0xb4: {  	s29 =	simm.s32 $0x9;
	_ =	strace $0x80000048  }
0xb5: {  	_ =	swait.ge [sflag:s29], $0x1  }
0xb6: {  	[sflag:s29] =	ssyncadd.s32 $0xFFFFFFFF  }
0xb7: {  	_ =	strace $0x90000048  }
0xb8: {  	_ =	sfence  }
0xb9: {  	s30 =	sld [smem:$0x0];
	_ =	sdelay $0x2  }
0xba: {  	s31 =	sshll.u32 s1, $0xD;
	s1 =	sshrl.u32 s1, $0x2  }
0xbb: {  	s3 =	sand.u32 $0x4000, s31;
	s1 =	sadd.s32 s1, s30  }
0xbc: {  	s0 =	sor.u32 s3, s0;
	s1 =	sshll.u32 s1, $0x11  }
0xbd: {  	s0 =	sor.u32 s1, s0  }
0xbe: {  	s0 =	sadd.s32 $0x8F2B, s0  }
0xbf: {  	[sflag:s0] =	ssyncadd.remote.s32 $0x1  }
0xc0: {  	_ =	sfence.sel $0xFFFF  }
0xc1: {  	[dreg:$0x0] =	wrdreg $0xFFFFFFFF;
	(pc) =	sbr.abs _section_cstart, $3  }
0xc2: {  	[dreg:$0x1] =	wrdreg $0xFFFFFFFF  }
0xc3: {  	_ =	task.clear_ibuf [dreg:s8], $0x2FFFF;
	_ =	strace $0x9FFFFFFF  }
0xc4: {  	(tm) =	ssettm $0x7FFFFFFF  }
0xc5: {  	_ =	shalt  }
tec
execute0_lowered:
.L_overlay_start_1:
0x0: {  	(tag) =	ssettag $0x1  }
0x1: {  	s1 =	rddreg [dreg:$0x1]  }
0x2: {  	s0 =	rddreg [dreg:$0x2]  }
0x3: {  	s2 =	simm.s32 $0x0;
	s3 =	stileid.u32;
	s25 =	srdreg.scid  }
0x4: {  	s28 =	simm.s32 $0x1480;
	s29 =	simm.s32 $0x1880;
	s30 =	simm.s32 $0x1C80  }
0x5: {  	s31 =	simm.s32 $0x2080;
	[smem:$0x7FF] =	sst s2;
	s5 =	smul.u32 $0xE, s3  }
0x6: {  	s6 =	sand.u32 $0x1, s25;
	s7 =	sshll.u32 s3, $0x1;
	s1 =	sadd.s32 $0x400, s1  }
0x7: {  	_ =	strace $0x80000047;
	p0 =	seq.s32 s6, $0x0;
	s26 =	ssub.s32 $0x2, s6  }
0x8: {  	[dreg:$0x4] =	wrdreg s1;
	s2 =	sadd.s32 $0x20, s5;
	s6 =	sshrl.u32 s26, $0x1  }
0x9: {  	s5 =	sadd.s32 $0x22, s5;
	s2 =	smov.u32 @p0 s7;
	s1 =	ssub.s32 s26, s6  }
0xa: {  	s3 =	sshll.u32 s5, $0x4;
	s4 =	sshll.u32 s5, $0x7;
	s7 =	sshll.u32 s2, $0xA  }
0xb: {  	s8 =	sshll.u32 s2, $0x7;
	s6 =	sand.u32 $0x60, s3;
	s10 =	sadd.s32 $0x3, s2  }
0xc: {  	s13 =	sadd.s32 $0x5, s2;
	s15 =	sadd.s32 $0x6, s2;
	s18 =	sadd.s32 $0x7, s2  }
0xd: {  	s22 =	sadd.s32 $0xA, s2;
	s25 =	sadd.s32 $0xB, s2;
	s7 =	sand.u32 $0x7E000, s7  }
0xe: {  	s8 =	sand.u32 $0x300, s8;
	s9 =	sadd.s32 s0, s6;
	s14 =	sshll.u32 s13, $0x7  }
0xf: {  	s16 =	sshll.u32 s15, $0x7;
	s19 =	sshll.u32 s18, $0x7;
	s12 =	sor.u32 s8, s7  }
0x10: {  	s23 =	sshll.u32 s22, $0x7;
	s8 =	sand.u32 $0xFC00, s4;
	s7 =	sshrl.u32 s12, $0x3  }
0x11: {  	s26 =	sshll.u32 s25, $0x7;
	s5 =	sadd.s32 s0, s7;
	s7 =	sadd.s32 s8, s9  }
0x12: {  	s9 =	sshll.u32 s10, $0x7;
	s8 =	sshll.u32 s10, $0x4;
	s10 =	sadd.s32 $0x4, s2  }
0x13: {  	s12 =	sadd.s32 $0x2000, s12;
	s9 =	sand.u32 $0x1FC00, s9;
	s11 =	sshll.u32 s10, $0x4  }
0x14: {  	s8 =	sand.u32 $0x70, s8;
	s10 =	sshll.u32 s10, $0x7;
	s11 =	sand.u32 $0x60, s11  }
0x15: {  	s8 =	sadd.s32 s0, s8;
	s10 =	sand.u32 $0x1FC00, s10;
	s11 =	sadd.s32 s0, s11  }
0x16: {  	s8 =	sadd.s32 s9, s8;
	s9 =	sadd.s32 s10, s11;
	s11 =	sshll.u32 s13, $0x4  }
0x17: {  	s6 =	sadd.s32 $0x10, s5;
	s10 =	sand.u32 $0x70, s11;
	s11 =	sand.u32 $0x1FC00, s14  }
0x18: {  	s14 =	sshll.u32 s15, $0x4;
	s15 =	sshrl.u32 s12, $0x3;
	s10 =	sadd.s32 s0, s10  }
0x19: {  	s17 =	sand.u32 $0x60, s14;
	s14 =	sshll.u32 s18, $0x4;
	s18 =	sadd.s32 $0xC, s2  }
0x1a: {  	s10 =	sadd.s32 s11, s10;
	s11 =	sand.u32 $0x1FC00, s16;
	s13 =	sadd.s32 s0, s17  }
0x1b: {  	s14 =	sand.u32 $0x70, s14;
	s16 =	sadd.s32 $0x9, s2;
	s17 =	sshll.u32 s22, $0x4  }
0x1c: {  	s2 =	sadd.s32 $0xD, s2;
	s22 =	simm.s32 $0x80;
	s11 =	sadd.s32 s11, s13  }
0x1d: {  	s13 =	sand.u32 $0x1FC00, s19;
	s14 =	sadd.s32 s0, s14;
	s20 =	sshll.u32 s16, $0x4  }
0x1e: {  	s21 =	sshll.u32 s16, $0x7;
	s24 =	sand.u32 $0x60, s17;
	s17 =	sshll.u32 s25, $0x4  }
0x1f: {  	s19 =	sshll.u32 s18, $0x7;
	s18 =	sshll.u32 s18, $0x4;
	s25 =	simm.s32 $0xC80  }
0x20: {  	s12 =	sadd.s32 s13, s14;
	s13 =	sadd.s32 s0, s15;
	s14 =	sand.u32 $0x70, s20  }
0x21: {  	s15 =	sand.u32 $0x1FC00, s21;
	s16 =	sadd.s32 s0, s24;
	s17 =	sand.u32 $0x70, s17  }
0x22: {  	s19 =	sand.u32 $0x1FC00, s19;
	s20 =	sshll.u32 s2, $0x4;
	s18 =	sand.u32 $0x60, s18  }
0x23: {  	s2 =	sshll.u32 s2, $0x7;
	s21 =	simm.s32 $0x400;
	s24 =	simm.s32 $0x880  }
0x24: {  	s14 =	sadd.s32 s0, s14;
	s17 =	sadd.s32 s0, s17;
	s20 =	sand.u32 $0x70, s20  }
0x25: {  	s18 =	sadd.s32 s0, s18;
	s2 =	sand.u32 $0x1FC00, s2;
	s14 =	sadd.s32 s15, s14  }
.Ltmp0:
0x26: {  	s15 =	sand.u32 $0x1FC00, s23;
	s0 =	sadd.s32 s0, s20;
	(pc) =	sbr.rel .LBB2_1-.Ltmp0, $4  }
0x27: {  	s20 =	simm.s32 $0x3;
	s15 =	sadd.s32 s15, s16;
	s16 =	sand.u32 $0x1FC00, s26  }
0x28: {  	s23 =	simm.s32 $0x480;
	s26 =	simm.s32 $0x1080;
	s16 =	sadd.s32 s16, s17  }
0x29: {  	s17 =	sadd.s32 s19, s18;
	s18 =	sadd.s32 s2, s0;
	s19 =	smax.u32 s1, $0x1  }
0x2a: {  	s0 =	simm.s32 $0x2480;
	s2 =	simm.s32 $0x1;
	s1 =	simm.s32 $0x2  }
.LBB2_3:
0x2b: {  	s19 =	sadd.s32 $0xFFFFFFFF, s19  }
0x2c: {  	_ =	swait.ge [sflag:s1], $0x2800;
	p1 =	sne.s32 s19, $0x0  }
.Ltmp1:
0x2d: {  	[sflag:s1] =	ssyncset.done $0x0;
	(pc) =	sbr.rel @!p1 .LBB2_4-.Ltmp1, $4  }
0x2e: {  	[sflag:s1] =	ssyncadd.s32 $0xFFFFD800  }
0x2f: {  	_ =	swait.ge [sflag:s1], $0x2800  }
0x30: {  	[sflag:s1] =	ssyncset.done $0x0  }
0x31: {  	[sflag:s1] =	ssyncadd.s32 $0xFFFFD800  }
.LBB2_1:
0x32: {  	s3 =	simm.s32 $0x0;
	s4 =	rddreg [dreg:$0x4]  }
0x33: {  	[tilespmem:s3], [sflag:$0x3] =	stream.linear.gather [hbm4b:s4+s3], $0x80, $0x38;
	[tilespmem:$0x2880] =	vst v63  }
0x34: {  	_ =	swait.ge [sflag:s20], $0x80  }
0x35: {  	[sflag:s20] =	ssyncset.done $0x0  }
0x36: {  	[sflag:s20] =	ssyncadd.s32 $0xFFFFFF80  }
0x37: {  	v0 =	vld [tilespmem:$0x0];
	_ =	sdelay $0x4  }
0x38: {  	(v2sf) =	vpush v0, $0x0;
	_ =	sdelay $0xe  }
0x39: {  	s3 =	spop (v2sf)  }
0x3a: {  	s4 =	sshll.u32 s3, $0xA;
	s3 =	sshll.u32 s3, $0x7  }
0x3b: {  	s4 =	sand.u32 $0xFFFFE000, s4;
	s3 =	sand.u32 $0x380, s3  }
0x3c: {  	s3 =	sor.u32 s3, s4  }
0x3d: {  	s4 =	rddreg [dreg:$0x0];
	s3 =	sshrl.u32 s3, $0x3  }
0x3e: {  	s3 =	sadd.s32 s4, s3  }
0x3f: {  	[tilespmem:s22], [sflag:$0x1] =	stream.strided.gather [hbm4b:s3+s22], $0x400, s21, s22, $0x38;
	[tilespmem:$0x2880] =	vst v63  }
0x40: {  	s4 =	sadd.s32 $0xC00, s3  }
0x41: {  	[tilespmem:s23], [sflag:$0x1] =	stream.strided.gather [hbm4b:s4+s22], $0x400, s21, s22, $0x38;
	[tilespmem:$0x2880] =	vst v63  }
0x42: {  	s4 =	sadd.s32 $0x1800, s3  }
0x43: {  	[tilespmem:s24], [sflag:$0x1] =	stream.strided.gather [hbm4b:s4+s22], $0x400, s21, s22, $0x38;
	[tilespmem:$0x2880] =	vst v63  }
0x44: {  	s4 =	sadd.s32 $0x2400, s3  }
0x45: {  	[tilespmem:s25], [sflag:$0x1] =	stream.strided.gather [hbm4b:s4+s22], $0x400, s21, s22, $0x38;
	[tilespmem:$0x2880] =	vst v63  }
0x46: {  	s4 =	sadd.s32 $0x3000, s3  }
0x47: {  	[tilespmem:s26], [sflag:$0x1] =	stream.strided.gather [hbm4b:s4+s22], $0x400, s21, s22, $0x38;
	[tilespmem:$0x2880] =	vst v63  }
0x48: {  	s4 =	sadd.s32 $0x3C00, s3  }
0x49: {  	[tilespmem:s28], [sflag:$0x1] =	stream.strided.gather [hbm4b:s4+s22], $0x400, s21, s22, $0x38;
	[tilespmem:$0x2880] =	vst v63  }
0x4a: {  	s4 =	sadd.s32 $0x4800, s3  }
0x4b: {  	[tilespmem:s29], [sflag:$0x1] =	stream.strided.gather [hbm4b:s4+s22], $0x400, s21, s22, $0x38;
	[tilespmem:$0x2880] =	vst v63  }
0x4c: {  	s4 =	sadd.s32 $0x5400, s3  }
0x4d: {  	[tilespmem:s30], [sflag:$0x1] =	stream.strided.gather [hbm4b:s4+s22], $0x400, s21, s22, $0x38;
	[tilespmem:$0x2880] =	vst v63  }
0x4e: {  	s4 =	sadd.s32 $0x6000, s3  }
0x4f: {  	[tilespmem:s31], [sflag:$0x1] =	stream.strided.gather [hbm4b:s4+s22], $0x400, s21, s22, $0x38;
	[tilespmem:$0x2880] =	vst v63  }
0x50: {  	s3 =	sadd.s32 $0x6C00, s3  }
0x51: {  	[tilespmem:s0], [sflag:$0x1] =	stream.strided.gather [hbm4b:s3+s22], $0x400, s21, s22, $0x38;
	[tilespmem:$0x2880] =	vst v63  }
0x52: {  	_ =	swait.ge [sflag:s2], $0x2800  }
0x53: {  	[sflag:s2] =	ssyncset.done $0x0  }
0x54: {  	[sflag:s2] =	ssyncadd.s32 $0xFFFFD800  }
0x55: {  	[hbm4b:s5+s22] =	stream.strided.scatter [tilespmem:s22], [sflag:$0x2], $0x400, s21, s22, $0x38;
	[tilespmem:$0x2880] =	vst v63  }
0x56: {  	s4 =	sadd.s32 $0x8000, s5  }
0x57: {  	[hbm4b:s4+s22] =	stream.strided.scatter [tilespmem:s23], [sflag:$0x2], $0x400, s21, s22, $0x38;
	[tilespmem:$0x2880] =	vst v63  }
0x58: {  	s4 =	sadd.s32 $0x10000, s5  }
0x59: {  	[hbm4b:s4+s22] =	stream.strided.scatter [tilespmem:s24], [sflag:$0x2], $0x400, s21, s22, $0x38;
	[tilespmem:$0x2880] =	vst v63  }
0x5a: {  	s4 =	sadd.s32 $0x18000, s5  }
0x5b: {  	[hbm4b:s4+s22] =	stream.strided.scatter [tilespmem:s25], [sflag:$0x2], $0x400, s21, s22, $0x38;
	[tilespmem:$0x2880] =	vst v63  }
0x5c: {  	s4 =	sadd.s32 $0x20000, s5  }
0x5d: {  	[hbm4b:s4+s22] =	stream.strided.scatter [tilespmem:s26], [sflag:$0x2], $0x400, s21, s22, $0x38;
	[tilespmem:$0x2880] =	vst v63  }
0x5e: {  	s4 =	sadd.s32 $0x28000, s5  }
0x5f: {  	[hbm4b:s4+s22] =	stream.strided.scatter [tilespmem:s28], [sflag:$0x2], $0x400, s21, s22, $0x38;
	[tilespmem:$0x2880] =	vst v63  }
0x60: {  	s4 =	sadd.s32 $0x30000, s5  }
0x61: {  	[hbm4b:s4+s22] =	stream.strided.scatter [tilespmem:s29], [sflag:$0x2], $0x400, s21, s22, $0x38;
	[tilespmem:$0x2880] =	vst v63  }
0x62: {  	s4 =	sadd.s32 $0x38000, s5  }
0x63: {  	[hbm4b:s4+s22] =	stream.strided.scatter [tilespmem:s30], [sflag:$0x2], $0x400, s21, s22, $0x38;
	[tilespmem:$0x2880] =	vst v63  }
0x64: {  	s4 =	sadd.s32 $0x40000, s5  }
0x65: {  	[hbm4b:s4+s22] =	stream.strided.scatter [tilespmem:s31], [sflag:$0x2], $0x400, s21, s22, $0x38;
	[tilespmem:$0x2880] =	vst v63  }
0x66: {  	s4 =	sadd.s32 $0x48000, s5  }
0x67: {  	[hbm4b:s4+s22] =	stream.strided.scatter [tilespmem:s0], [sflag:$0x2], $0x400, s21, s22, $0x38;
	[tilespmem:$0x2880] =	vst v63  }
0x68: {  	_ = 	snop  }
0x69: {  	[hbm4b:s6+s22] =	stream.strided.scatter [tilespmem:s22], [sflag:$0x2], $0x400, s21, s22, $0x38;
	[tilespmem:$0x2880] =	vst v63  }
0x6a: {  	s4 =	sadd.s32 $0x8000, s6  }
0x6b: {  	[hbm4b:s4+s22] =	stream.strided.scatter [tilespmem:s23], [sflag:$0x2], $0x400, s21, s22, $0x38;
	[tilespmem:$0x2880] =	vst v63  }
0x6c: {  	s4 =	sadd.s32 $0x10000, s6  }
0x6d: {  	[hbm4b:s4+s22] =	stream.strided.scatter [tilespmem:s24], [sflag:$0x2], $0x400, s21, s22, $0x38;
	[tilespmem:$0x2880] =	vst v63  }
0x6e: {  	s4 =	sadd.s32 $0x18000, s6  }
0x6f: {  	[hbm4b:s4+s22] =	stream.strided.scatter [tilespmem:s25], [sflag:$0x2], $0x400, s21, s22, $0x38;
	[tilespmem:$0x2880] =	vst v63  }
0x70: {  	s4 =	sadd.s32 $0x20000, s6  }
0x71: {  	[hbm4b:s4+s22] =	stream.strided.scatter [tilespmem:s26], [sflag:$0x2], $0x400, s21, s22, $0x38;
	[tilespmem:$0x2880] =	vst v63  }
0x72: {  	s4 =	sadd.s32 $0x28000, s6  }
0x73: {  	[hbm4b:s4+s22] =	stream.strided.scatter [tilespmem:s28], [sflag:$0x2], $0x400, s21, s22, $0x38;
	[tilespmem:$0x2880] =	vst v63  }
0x74: {  	s4 =	sadd.s32 $0x30000, s6  }
0x75: {  	[hbm4b:s4+s22] =	stream.strided.scatter [tilespmem:s29], [sflag:$0x2], $0x400, s21, s22, $0x38;
	[tilespmem:$0x2880] =	vst v63  }
0x76: {  	s4 =	sadd.s32 $0x38000, s6  }
0x77: {  	[hbm4b:s4+s22] =	stream.strided.scatter [tilespmem:s30], [sflag:$0x2], $0x400, s21, s22, $0x38;
	[tilespmem:$0x2880] =	vst v63  }
.Ltmp2:
0x78: {  	_ = 	snop;
	(pc) =	sbr.rel @p0 .LBB2_3-.Ltmp2, $4  }
0x79: {  	s4 =	sadd.s32 $0x40000, s6  }
0x7a: {  	[hbm4b:s4+s22] =	stream.strided.scatter [tilespmem:s31], [sflag:$0x2], $0x400, s21, s22, $0x38;
	[tilespmem:$0x2880] =	vst v63  }
0x7b: {  	s4 =	sadd.s32 $0x48000, s6  }
0x7c: {  	[hbm4b:s4+s22] =	stream.strided.scatter [tilespmem:s0], [sflag:$0x2], $0x400, s21, s22, $0x38;
	[tilespmem:$0x2880] =	vst v63  }
0x7d: {  	[hbm4b:s7+s22] =	stream.strided.scatter [tilespmem:s22], [sflag:$0x2], $0x400, s21, s22, $0x38;
	[tilespmem:$0x2880] =	vst v63  }
0x7e: {  	s3 =	sadd.s32 $0x8000, s7  }
0x7f: {  	[hbm4b:s3+s22] =	stream.strided.scatter [tilespmem:s23], [sflag:$0x2], $0x400, s21, s22, $0x38;
	[tilespmem:$0x2880] =	vst v63  }
0x80: {  	s4 =	sadd.s32 $0x10000, s7  }
0x81: {  	[hbm4b:s4+s22] =	stream.strided.scatter [tilespmem:s24], [sflag:$0x2], $0x400, s21, s22, $0x38;
	[tilespmem:$0x2880] =	vst v63  }
0x82: {  	s4 =	sadd.s32 $0x18000, s7  }
0x83: {  	[hbm4b:s4+s22] =	stream.strided.scatter [tilespmem:s25], [sflag:$0x2], $0x400, s21, s22, $0x38;
	[tilespmem:$0x2880] =	vst v63  }
0x84: {  	s4 =	sadd.s32 $0x20000, s7  }
0x85: {  	[hbm4b:s4+s22] =	stream.strided.scatter [tilespmem:s26], [sflag:$0x2], $0x400, s21, s22, $0x38;
	[tilespmem:$0x2880] =	vst v63  }
0x86: {  	s4 =	sadd.s32 $0x28000, s7  }
0x87: {  	[hbm4b:s4+s22] =	stream.strided.scatter [tilespmem:s28], [sflag:$0x2], $0x400, s21, s22, $0x38;
	[tilespmem:$0x2880] =	vst v63  }
0x88: {  	s4 =	sadd.s32 $0x30000, s7  }
0x89: {  	[hbm4b:s4+s22] =	stream.strided.scatter [tilespmem:s29], [sflag:$0x2], $0x400, s21, s22, $0x38;
	[tilespmem:$0x2880] =	vst v63  }
0x8a: {  	s4 =	sadd.s32 $0x38000, s7  }
0x8b: {  	[hbm4b:s4+s22] =	stream.strided.scatter [tilespmem:s30], [sflag:$0x2], $0x400, s21, s22, $0x38;
	[tilespmem:$0x2880] =	vst v63  }
0x8c: {  	s4 =	sadd.s32 $0x40000, s7  }
0x8d: {  	[hbm4b:s4+s22] =	stream.strided.scatter [tilespmem:s31], [sflag:$0x2], $0x400, s21, s22, $0x38;
	[tilespmem:$0x2880] =	vst v63  }
0x8e: {  	s4 =	sadd.s32 $0x48000, s7  }
0x8f: {  	[hbm4b:s4+s22] =	stream.strided.scatter [tilespmem:s0], [sflag:$0x2], $0x400, s21, s22, $0x38;
	[tilespmem:$0x2880] =	vst v63  }
0x90: {  	_ = 	snop  }
0x91: {  	[hbm4b:s8+s22] =	stream.strided.scatter [tilespmem:s22], [sflag:$0x2], $0x400, s21, s22, $0x38;
	[tilespmem:$0x2880] =	vst v63  }
0x92: {  	s4 =	sadd.s32 $0x8000, s8  }
0x93: {  	[hbm4b:s4+s22] =	stream.strided.scatter [tilespmem:s23], [sflag:$0x2], $0x400, s21, s22, $0x38;
	[tilespmem:$0x2880] =	vst v63  }
0x94: {  	s4 =	sadd.s32 $0x10000, s8  }
0x95: {  	[hbm4b:s4+s22] =	stream.strided.scatter [tilespmem:s24], [sflag:$0x2], $0x400, s21, s22, $0x38;
	[tilespmem:$0x2880] =	vst v63  }
0x96: {  	s4 =	sadd.s32 $0x18000, s8  }
0x97: {  	[hbm4b:s4+s22] =	stream.strided.scatter [tilespmem:s25], [sflag:$0x2], $0x400, s21, s22, $0x38;
	[tilespmem:$0x2880] =	vst v63  }
0x98: {  	s4 =	sadd.s32 $0x20000, s8  }
0x99: {  	[hbm4b:s4+s22] =	stream.strided.scatter [tilespmem:s26], [sflag:$0x2], $0x400, s21, s22, $0x38;
	[tilespmem:$0x2880] =	vst v63  }
0x9a: {  	s4 =	sadd.s32 $0x28000, s8  }
0x9b: {  	[hbm4b:s4+s22] =	stream.strided.scatter [tilespmem:s28], [sflag:$0x2], $0x400, s21, s22, $0x38;
	[tilespmem:$0x2880] =	vst v63  }
0x9c: {  	s4 =	sadd.s32 $0x30000, s8  }
0x9d: {  	[hbm4b:s4+s22] =	stream.strided.scatter [tilespmem:s29], [sflag:$0x2], $0x400, s21, s22, $0x38;
	[tilespmem:$0x2880] =	vst v63  }
0x9e: {  	s4 =	sadd.s32 $0x38000, s8  }
0x9f: {  	[hbm4b:s4+s22] =	stream.strided.scatter [tilespmem:s30], [sflag:$0x2], $0x400, s21, s22, $0x38;
	[tilespmem:$0x2880] =	vst v63  }
0xa0: {  	s4 =	sadd.s32 $0x40000, s8  }
0xa1: {  	[hbm4b:s4+s22] =	stream.strided.scatter [tilespmem:s31], [sflag:$0x2], $0x400, s21, s22, $0x38;
	[tilespmem:$0x2880] =	vst v63  }
0xa2: {  	s4 =	sadd.s32 $0x48000, s8  }
0xa3: {  	[hbm4b:s4+s22] =	stream.strided.scatter [tilespmem:s0], [sflag:$0x2], $0x400, s21, s22, $0x38;
	[tilespmem:$0x2880] =	vst v63  }
0xa4: {  	_ = 	snop  }
0xa5: {  	[hbm4b:s9+s22] =	stream.strided.scatter [tilespmem:s22], [sflag:$0x2], $0x400, s21, s22, $0x38;
	[tilespmem:$0x2880] =	vst v63  }
0xa6: {  	s4 =	sadd.s32 $0x8000, s9  }
0xa7: {  	[hbm4b:s4+s22] =	stream.strided.scatter [tilespmem:s23], [sflag:$0x2], $0x400, s21, s22, $0x38;
	[tilespmem:$0x2880] =	vst v63  }
0xa8: {  	s4 =	sadd.s32 $0x10000, s9  }
0xa9: {  	[hbm4b:s4+s22] =	stream.strided.scatter [tilespmem:s24], [sflag:$0x2], $0x400, s21, s22, $0x38;
	[tilespmem:$0x2880] =	vst v63  }
0xaa: {  	s4 =	sadd.s32 $0x18000, s9  }
0xab: {  	[hbm4b:s4+s22] =	stream.strided.scatter [tilespmem:s25], [sflag:$0x2], $0x400, s21, s22, $0x38;
	[tilespmem:$0x2880] =	vst v63  }
0xac: {  	s4 =	sadd.s32 $0x20000, s9  }
0xad: {  	[hbm4b:s4+s22] =	stream.strided.scatter [tilespmem:s26], [sflag:$0x2], $0x400, s21, s22, $0x38;
	[tilespmem:$0x2880] =	vst v63  }
0xae: {  	s4 =	sadd.s32 $0x28000, s9  }
0xaf: {  	[hbm4b:s4+s22] =	stream.strided.scatter [tilespmem:s28], [sflag:$0x2], $0x400, s21, s22, $0x38;
	[tilespmem:$0x2880] =	vst v63  }
0xb0: {  	s4 =	sadd.s32 $0x30000, s9  }
0xb1: {  	[hbm4b:s4+s22] =	stream.strided.scatter [tilespmem:s29], [sflag:$0x2], $0x400, s21, s22, $0x38;
	[tilespmem:$0x2880] =	vst v63  }
0xb2: {  	s4 =	sadd.s32 $0x38000, s9  }
0xb3: {  	[hbm4b:s4+s22] =	stream.strided.scatter [tilespmem:s30], [sflag:$0x2], $0x400, s21, s22, $0x38;
	[tilespmem:$0x2880] =	vst v63  }
0xb4: {  	s4 =	sadd.s32 $0x40000, s9  }
0xb5: {  	[hbm4b:s4+s22] =	stream.strided.scatter [tilespmem:s31], [sflag:$0x2], $0x400, s21, s22, $0x38;
	[tilespmem:$0x2880] =	vst v63  }
0xb6: {  	s4 =	sadd.s32 $0x48000, s9  }
0xb7: {  	[hbm4b:s4+s22] =	stream.strided.scatter [tilespmem:s0], [sflag:$0x2], $0x400, s21, s22, $0x38;
	[tilespmem:$0x2880] =	vst v63  }
0xb8: {  	_ = 	snop  }
0xb9: {  	[hbm4b:s10+s22] =	stream.strided.scatter [tilespmem:s22], [sflag:$0x2], $0x400, s21, s22, $0x38;
	[tilespmem:$0x2880] =	vst v63  }
0xba: {  	s4 =	sadd.s32 $0x8000, s10  }
0xbb: {  	[hbm4b:s4+s22] =	stream.strided.scatter [tilespmem:s23], [sflag:$0x2], $0x400, s21, s22, $0x38;
	[tilespmem:$0x2880] =	vst v63  }
0xbc: {  	s4 =	sadd.s32 $0x10000, s10  }
0xbd: {  	[hbm4b:s4+s22] =	stream.strided.scatter [tilespmem:s24], [sflag:$0x2], $0x400, s21, s22, $0x38;
	[tilespmem:$0x2880] =	vst v63  }
0xbe: {  	s4 =	sadd.s32 $0x18000, s10  }
0xbf: {  	[hbm4b:s4+s22] =	stream.strided.scatter [tilespmem:s25], [sflag:$0x2], $0x400, s21, s22, $0x38;
	[tilespmem:$0x2880] =	vst v63  }
0xc0: {  	s4 =	sadd.s32 $0x20000, s10  }
0xc1: {  	[hbm4b:s4+s22] =	stream.strided.scatter [tilespmem:s26], [sflag:$0x2], $0x400, s21, s22, $0x38;
	[tilespmem:$0x2880] =	vst v63  }
0xc2: {  	s4 =	sadd.s32 $0x28000, s10  }
0xc3: {  	[hbm4b:s4+s22] =	stream.strided.scatter [tilespmem:s28], [sflag:$0x2], $0x400, s21, s22, $0x38;
	[tilespmem:$0x2880] =	vst v63  }
0xc4: {  	s4 =	sadd.s32 $0x30000, s10  }
0xc5: {  	[hbm4b:s4+s22] =	stream.strided.scatter [tilespmem:s29], [sflag:$0x2], $0x400, s21, s22, $0x38;
	[tilespmem:$0x2880] =	vst v63  }
0xc6: {  	s4 =	sadd.s32 $0x38000, s10  }
0xc7: {  	[hbm4b:s4+s22] =	stream.strided.scatter [tilespmem:s30], [sflag:$0x2], $0x400, s21, s22, $0x38;
	[tilespmem:$0x2880] =	vst v63  }
0xc8: {  	s4 =	sadd.s32 $0x40000, s10  }
0xc9: {  	[hbm4b:s4+s22] =	stream.strided.scatter [tilespmem:s31], [sflag:$0x2], $0x400, s21, s22, $0x38;
	[tilespmem:$0x2880] =	vst v63  }
0xca: {  	s4 =	sadd.s32 $0x48000, s10  }
0xcb: {  	[hbm4b:s4+s22] =	stream.strided.scatter [tilespmem:s0], [sflag:$0x2], $0x400, s21, s22, $0x38;
	[tilespmem:$0x2880] =	vst v63  }
0xcc: {  	_ = 	snop  }
0xcd: {  	[hbm4b:s11+s22] =	stream.strided.scatter [tilespmem:s22], [sflag:$0x2], $0x400, s21, s22, $0x38;
	[tilespmem:$0x2880] =	vst v63  }
0xce: {  	s4 =	sadd.s32 $0x8000, s11  }
0xcf: {  	[hbm4b:s4+s22] =	stream.strided.scatter [tilespmem:s23], [sflag:$0x2], $0x400, s21, s22, $0x38;
	[tilespmem:$0x2880] =	vst v63  }
0xd0: {  	s4 =	sadd.s32 $0x10000, s11  }
0xd1: {  	[hbm4b:s4+s22] =	stream.strided.scatter [tilespmem:s24], [sflag:$0x2], $0x400, s21, s22, $0x38;
	[tilespmem:$0x2880] =	vst v63  }
0xd2: {  	s4 =	sadd.s32 $0x18000, s11  }
0xd3: {  	[hbm4b:s4+s22] =	stream.strided.scatter [tilespmem:s25], [sflag:$0x2], $0x400, s21, s22, $0x38;
	[tilespmem:$0x2880] =	vst v63  }
0xd4: {  	s4 =	sadd.s32 $0x20000, s11  }
0xd5: {  	[hbm4b:s4+s22] =	stream.strided.scatter [tilespmem:s26], [sflag:$0x2], $0x400, s21, s22, $0x38;
	[tilespmem:$0x2880] =	vst v63  }
0xd6: {  	s4 =	sadd.s32 $0x28000, s11  }
0xd7: {  	[hbm4b:s4+s22] =	stream.strided.scatter [tilespmem:s28], [sflag:$0x2], $0x400, s21, s22, $0x38;
	[tilespmem:$0x2880] =	vst v63  }
0xd8: {  	s4 =	sadd.s32 $0x30000, s11  }
0xd9: {  	[hbm4b:s4+s22] =	stream.strided.scatter [tilespmem:s29], [sflag:$0x2], $0x400, s21, s22, $0x38;
	[tilespmem:$0x2880] =	vst v63  }
0xda: {  	s4 =	sadd.s32 $0x38000, s11  }
0xdb: {  	[hbm4b:s4+s22] =	stream.strided.scatter [tilespmem:s30], [sflag:$0x2], $0x400, s21, s22, $0x38;
	[tilespmem:$0x2880] =	vst v63  }
0xdc: {  	s4 =	sadd.s32 $0x40000, s11  }
0xdd: {  	[hbm4b:s4+s22] =	stream.strided.scatter [tilespmem:s31], [sflag:$0x2], $0x400, s21, s22, $0x38;
	[tilespmem:$0x2880] =	vst v63  }
0xde: {  	s4 =	sadd.s32 $0x48000, s11  }
0xdf: {  	[hbm4b:s4+s22] =	stream.strided.scatter [tilespmem:s0], [sflag:$0x2], $0x400, s21, s22, $0x38;
	[tilespmem:$0x2880] =	vst v63  }
0xe0: {  	_ = 	snop  }
0xe1: {  	[hbm4b:s12+s22] =	stream.strided.scatter [tilespmem:s22], [sflag:$0x2], $0x400, s21, s22, $0x38;
	[tilespmem:$0x2880] =	vst v63  }
0xe2: {  	s4 =	sadd.s32 $0x8000, s12  }
0xe3: {  	[hbm4b:s4+s22] =	stream.strided.scatter [tilespmem:s23], [sflag:$0x2], $0x400, s21, s22, $0x38;
	[tilespmem:$0x2880] =	vst v63  }
0xe4: {  	s4 =	sadd.s32 $0x10000, s12  }
0xe5: {  	[hbm4b:s4+s22] =	stream.strided.scatter [tilespmem:s24], [sflag:$0x2], $0x400, s21, s22, $0x38;
	[tilespmem:$0x2880] =	vst v63  }
0xe6: {  	s4 =	sadd.s32 $0x18000, s12  }
0xe7: {  	[hbm4b:s4+s22] =	stream.strided.scatter [tilespmem:s25], [sflag:$0x2], $0x400, s21, s22, $0x38;
	[tilespmem:$0x2880] =	vst v63  }
0xe8: {  	s4 =	sadd.s32 $0x20000, s12  }
0xe9: {  	[hbm4b:s4+s22] =	stream.strided.scatter [tilespmem:s26], [sflag:$0x2], $0x400, s21, s22, $0x38;
	[tilespmem:$0x2880] =	vst v63  }
0xea: {  	s4 =	sadd.s32 $0x28000, s12  }
0xeb: {  	[hbm4b:s4+s22] =	stream.strided.scatter [tilespmem:s28], [sflag:$0x2], $0x400, s21, s22, $0x38;
	[tilespmem:$0x2880] =	vst v63  }
0xec: {  	s4 =	sadd.s32 $0x30000, s12  }
0xed: {  	[hbm4b:s4+s22] =	stream.strided.scatter [tilespmem:s29], [sflag:$0x2], $0x400, s21, s22, $0x38;
	[tilespmem:$0x2880] =	vst v63  }
0xee: {  	s4 =	sadd.s32 $0x38000, s12  }
0xef: {  	[hbm4b:s4+s22] =	stream.strided.scatter [tilespmem:s30], [sflag:$0x2], $0x400, s21, s22, $0x38;
	[tilespmem:$0x2880] =	vst v63  }
0xf0: {  	s4 =	sadd.s32 $0x40000, s12  }
0xf1: {  	[hbm4b:s4+s22] =	stream.strided.scatter [tilespmem:s31], [sflag:$0x2], $0x400, s21, s22, $0x38;
	[tilespmem:$0x2880] =	vst v63  }
0xf2: {  	s4 =	sadd.s32 $0x48000, s12  }
0xf3: {  	[hbm4b:s4+s22] =	stream.strided.scatter [tilespmem:s0], [sflag:$0x2], $0x400, s21, s22, $0x38;
	[tilespmem:$0x2880] =	vst v63  }
0xf4: {  	_ = 	snop  }
0xf5: {  	[hbm4b:s13+s22] =	stream.strided.scatter [tilespmem:s22], [sflag:$0x2], $0x400, s21, s22, $0x38;
	[tilespmem:$0x2880] =	vst v63  }
0xf6: {  	s4 =	sadd.s32 $0x8000, s13  }
0xf7: {  	[hbm4b:s4+s22] =	stream.strided.scatter [tilespmem:s23], [sflag:$0x2], $0x400, s21, s22, $0x38;
	[tilespmem:$0x2880] =	vst v63  }
0xf8: {  	s4 =	sadd.s32 $0x10000, s13  }
0xf9: {  	[hbm4b:s4+s22] =	stream.strided.scatter [tilespmem:s24], [sflag:$0x2], $0x400, s21, s22, $0x38;
	[tilespmem:$0x2880] =	vst v63  }
0xfa: {  	s4 =	sadd.s32 $0x18000, s13  }
0xfb: {  	[hbm4b:s4+s22] =	stream.strided.scatter [tilespmem:s25], [sflag:$0x2], $0x400, s21, s22, $0x38;
	[tilespmem:$0x2880] =	vst v63  }
0xfc: {  	s4 =	sadd.s32 $0x20000, s13  }
0xfd: {  	[hbm4b:s4+s22] =	stream.strided.scatter [tilespmem:s26], [sflag:$0x2], $0x400, s21, s22, $0x38;
	[tilespmem:$0x2880] =	vst v63  }
0xfe: {  	s4 =	sadd.s32 $0x28000, s13  }
0xff: {  	[hbm4b:s4+s22] =	stream.strided.scatter [tilespmem:s28], [sflag:$0x2], $0x400, s21, s22, $0x38;
	[tilespmem:$0x2880] =	vst v63  }
0x100: {  	s4 =	sadd.s32 $0x30000, s13  }
0x101: {  	[hbm4b:s4+s22] =	stream.strided.scatter [tilespmem:s29], [sflag:$0x2], $0x400, s21, s22, $0x38;
	[tilespmem:$0x2880] =	vst v63  }
0x102: {  	s4 =	sadd.s32 $0x38000, s13  }
0x103: {  	[hbm4b:s4+s22] =	stream.strided.scatter [tilespmem:s30], [sflag:$0x2], $0x400, s21, s22, $0x38;
	[tilespmem:$0x2880] =	vst v63  }
0x104: {  	s4 =	sadd.s32 $0x40000, s13  }
0x105: {  	[hbm4b:s4+s22] =	stream.strided.scatter [tilespmem:s31], [sflag:$0x2], $0x400, s21, s22, $0x38;
	[tilespmem:$0x2880] =	vst v63  }
0x106: {  	s4 =	sadd.s32 $0x48000, s13  }
0x107: {  	[hbm4b:s4+s22] =	stream.strided.scatter [tilespmem:s0], [sflag:$0x2], $0x400, s21, s22, $0x38;
	[tilespmem:$0x2880] =	vst v63  }
0x108: {  	_ = 	snop  }
0x109: {  	[hbm4b:s14+s22] =	stream.strided.scatter [tilespmem:s22], [sflag:$0x2], $0x400, s21, s22, $0x38;
	[tilespmem:$0x2880] =	vst v63  }
0x10a: {  	s4 =	sadd.s32 $0x8000, s14  }
0x10b: {  	[hbm4b:s4+s22] =	stream.strided.scatter [tilespmem:s23], [sflag:$0x2], $0x400, s21, s22, $0x38;
	[tilespmem:$0x2880] =	vst v63  }
0x10c: {  	s4 =	sadd.s32 $0x10000, s14  }
0x10d: {  	[hbm4b:s4+s22] =	stream.strided.scatter [tilespmem:s24], [sflag:$0x2], $0x400, s21, s22, $0x38;
	[tilespmem:$0x2880] =	vst v63  }
0x10e: {  	s4 =	sadd.s32 $0x18000, s14  }
0x10f: {  	[hbm4b:s4+s22] =	stream.strided.scatter [tilespmem:s25], [sflag:$0x2], $0x400, s21, s22, $0x38;
	[tilespmem:$0x2880] =	vst v63  }
0x110: {  	s4 =	sadd.s32 $0x20000, s14  }
0x111: {  	[hbm4b:s4+s22] =	stream.strided.scatter [tilespmem:s26], [sflag:$0x2], $0x400, s21, s22, $0x38;
	[tilespmem:$0x2880] =	vst v63  }
0x112: {  	s4 =	sadd.s32 $0x28000, s14  }
0x113: {  	[hbm4b:s4+s22] =	stream.strided.scatter [tilespmem:s28], [sflag:$0x2], $0x400, s21, s22, $0x38;
	[tilespmem:$0x2880] =	vst v63  }
0x114: {  	s4 =	sadd.s32 $0x30000, s14  }
0x115: {  	[hbm4b:s4+s22] =	stream.strided.scatter [tilespmem:s29], [sflag:$0x2], $0x400, s21, s22, $0x38;
	[tilespmem:$0x2880] =	vst v63  }
0x116: {  	s4 =	sadd.s32 $0x38000, s14  }
0x117: {  	[hbm4b:s4+s22] =	stream.strided.scatter [tilespmem:s30], [sflag:$0x2], $0x400, s21, s22, $0x38;
	[tilespmem:$0x2880] =	vst v63  }
0x118: {  	s4 =	sadd.s32 $0x40000, s14  }
0x119: {  	[hbm4b:s4+s22] =	stream.strided.scatter [tilespmem:s31], [sflag:$0x2], $0x400, s21, s22, $0x38;
	[tilespmem:$0x2880] =	vst v63  }
0x11a: {  	s4 =	sadd.s32 $0x48000, s14  }
0x11b: {  	[hbm4b:s4+s22] =	stream.strided.scatter [tilespmem:s0], [sflag:$0x2], $0x400, s21, s22, $0x38;
	[tilespmem:$0x2880] =	vst v63  }
0x11c: {  	_ = 	snop  }
0x11d: {  	[hbm4b:s15+s22] =	stream.strided.scatter [tilespmem:s22], [sflag:$0x2], $0x400, s21, s22, $0x38;
	[tilespmem:$0x2880] =	vst v63  }
0x11e: {  	s4 =	sadd.s32 $0x8000, s15  }
0x11f: {  	[hbm4b:s4+s22] =	stream.strided.scatter [tilespmem:s23], [sflag:$0x2], $0x400, s21, s22, $0x38;
	[tilespmem:$0x2880] =	vst v63  }
0x120: {  	s4 =	sadd.s32 $0x10000, s15  }
0x121: {  	[hbm4b:s4+s22] =	stream.strided.scatter [tilespmem:s24], [sflag:$0x2], $0x400, s21, s22, $0x38;
	[tilespmem:$0x2880] =	vst v63  }
0x122: {  	s4 =	sadd.s32 $0x18000, s15  }
0x123: {  	[hbm4b:s4+s22] =	stream.strided.scatter [tilespmem:s25], [sflag:$0x2], $0x400, s21, s22, $0x38;
	[tilespmem:$0x2880] =	vst v63  }
0x124: {  	s4 =	sadd.s32 $0x20000, s15  }
0x125: {  	[hbm4b:s4+s22] =	stream.strided.scatter [tilespmem:s26], [sflag:$0x2], $0x400, s21, s22, $0x38;
	[tilespmem:$0x2880] =	vst v63  }
0x126: {  	s4 =	sadd.s32 $0x28000, s15  }
0x127: {  	[hbm4b:s4+s22] =	stream.strided.scatter [tilespmem:s28], [sflag:$0x2], $0x400, s21, s22, $0x38;
	[tilespmem:$0x2880] =	vst v63  }
0x128: {  	s4 =	sadd.s32 $0x30000, s15  }
0x129: {  	[hbm4b:s4+s22] =	stream.strided.scatter [tilespmem:s29], [sflag:$0x2], $0x400, s21, s22, $0x38;
	[tilespmem:$0x2880] =	vst v63  }
0x12a: {  	s4 =	sadd.s32 $0x38000, s15  }
0x12b: {  	[hbm4b:s4+s22] =	stream.strided.scatter [tilespmem:s30], [sflag:$0x2], $0x400, s21, s22, $0x38;
	[tilespmem:$0x2880] =	vst v63  }
0x12c: {  	s4 =	sadd.s32 $0x40000, s15  }
0x12d: {  	[hbm4b:s4+s22] =	stream.strided.scatter [tilespmem:s31], [sflag:$0x2], $0x400, s21, s22, $0x38;
	[tilespmem:$0x2880] =	vst v63  }
0x12e: {  	s4 =	sadd.s32 $0x48000, s15  }
0x12f: {  	[hbm4b:s4+s22] =	stream.strided.scatter [tilespmem:s0], [sflag:$0x2], $0x400, s21, s22, $0x38;
	[tilespmem:$0x2880] =	vst v63  }
0x130: {  	_ = 	snop  }
0x131: {  	[hbm4b:s16+s22] =	stream.strided.scatter [tilespmem:s22], [sflag:$0x2], $0x400, s21, s22, $0x38;
	[tilespmem:$0x2880] =	vst v63  }
0x132: {  	s4 =	sadd.s32 $0x8000, s16  }
0x133: {  	[hbm4b:s4+s22] =	stream.strided.scatter [tilespmem:s23], [sflag:$0x2], $0x400, s21, s22, $0x38;
	[tilespmem:$0x2880] =	vst v63  }
0x134: {  	s4 =	sadd.s32 $0x10000, s16  }
0x135: {  	[hbm4b:s4+s22] =	stream.strided.scatter [tilespmem:s24], [sflag:$0x2], $0x400, s21, s22, $0x38;
	[tilespmem:$0x2880] =	vst v63  }
0x136: {  	s4 =	sadd.s32 $0x18000, s16  }
0x137: {  	[hbm4b:s4+s22] =	stream.strided.scatter [tilespmem:s25], [sflag:$0x2], $0x400, s21, s22, $0x38;
	[tilespmem:$0x2880] =	vst v63  }
0x138: {  	s4 =	sadd.s32 $0x20000, s16  }
0x139: {  	[hbm4b:s4+s22] =	stream.strided.scatter [tilespmem:s26], [sflag:$0x2], $0x400, s21, s22, $0x38;
	[tilespmem:$0x2880] =	vst v63  }
0x13a: {  	s4 =	sadd.s32 $0x28000, s16  }
0x13b: {  	[hbm4b:s4+s22] =	stream.strided.scatter [tilespmem:s28], [sflag:$0x2], $0x400, s21, s22, $0x38;
	[tilespmem:$0x2880] =	vst v63  }
0x13c: {  	s4 =	sadd.s32 $0x30000, s16  }
0x13d: {  	[hbm4b:s4+s22] =	stream.strided.scatter [tilespmem:s29], [sflag:$0x2], $0x400, s21, s22, $0x38;
	[tilespmem:$0x2880] =	vst v63  }
0x13e: {  	s4 =	sadd.s32 $0x38000, s16  }
0x13f: {  	[hbm4b:s4+s22] =	stream.strided.scatter [tilespmem:s30], [sflag:$0x2], $0x400, s21, s22, $0x38;
	[tilespmem:$0x2880] =	vst v63  }
0x140: {  	s4 =	sadd.s32 $0x40000, s16  }
0x141: {  	[hbm4b:s4+s22] =	stream.strided.scatter [tilespmem:s31], [sflag:$0x2], $0x400, s21, s22, $0x38;
	[tilespmem:$0x2880] =	vst v63  }
0x142: {  	s4 =	sadd.s32 $0x48000, s16  }
0x143: {  	[hbm4b:s4+s22] =	stream.strided.scatter [tilespmem:s0], [sflag:$0x2], $0x400, s21, s22, $0x38;
	[tilespmem:$0x2880] =	vst v63  }
0x144: {  	_ = 	snop  }
0x145: {  	[hbm4b:s17+s22] =	stream.strided.scatter [tilespmem:s22], [sflag:$0x2], $0x400, s21, s22, $0x38;
	[tilespmem:$0x2880] =	vst v63  }
0x146: {  	s4 =	sadd.s32 $0x8000, s17  }
0x147: {  	[hbm4b:s4+s22] =	stream.strided.scatter [tilespmem:s23], [sflag:$0x2], $0x400, s21, s22, $0x38;
	[tilespmem:$0x2880] =	vst v63  }
0x148: {  	s4 =	sadd.s32 $0x10000, s17  }
0x149: {  	[hbm4b:s4+s22] =	stream.strided.scatter [tilespmem:s24], [sflag:$0x2], $0x400, s21, s22, $0x38;
	[tilespmem:$0x2880] =	vst v63  }
0x14a: {  	s4 =	sadd.s32 $0x18000, s17  }
0x14b: {  	[hbm4b:s4+s22] =	stream.strided.scatter [tilespmem:s25], [sflag:$0x2], $0x400, s21, s22, $0x38;
	[tilespmem:$0x2880] =	vst v63  }
0x14c: {  	s4 =	sadd.s32 $0x20000, s17  }
0x14d: {  	[hbm4b:s4+s22] =	stream.strided.scatter [tilespmem:s26], [sflag:$0x2], $0x400, s21, s22, $0x38;
	[tilespmem:$0x2880] =	vst v63  }
0x14e: {  	s4 =	sadd.s32 $0x28000, s17  }
0x14f: {  	[hbm4b:s4+s22] =	stream.strided.scatter [tilespmem:s28], [sflag:$0x2], $0x400, s21, s22, $0x38;
	[tilespmem:$0x2880] =	vst v63  }
0x150: {  	s4 =	sadd.s32 $0x30000, s17  }
0x151: {  	[hbm4b:s4+s22] =	stream.strided.scatter [tilespmem:s29], [sflag:$0x2], $0x400, s21, s22, $0x38;
	[tilespmem:$0x2880] =	vst v63  }
0x152: {  	s4 =	sadd.s32 $0x38000, s17  }
0x153: {  	[hbm4b:s4+s22] =	stream.strided.scatter [tilespmem:s30], [sflag:$0x2], $0x400, s21, s22, $0x38;
	[tilespmem:$0x2880] =	vst v63  }
0x154: {  	s4 =	sadd.s32 $0x40000, s17  }
0x155: {  	[hbm4b:s4+s22] =	stream.strided.scatter [tilespmem:s31], [sflag:$0x2], $0x400, s21, s22, $0x38;
	[tilespmem:$0x2880] =	vst v63  }
0x156: {  	s4 =	sadd.s32 $0x48000, s17  }
0x157: {  	[hbm4b:s4+s22] =	stream.strided.scatter [tilespmem:s0], [sflag:$0x2], $0x400, s21, s22, $0x38;
	[tilespmem:$0x2880] =	vst v63  }
0x158: {  	_ = 	snop  }
0x159: {  	[hbm4b:s18+s22] =	stream.strided.scatter [tilespmem:s22], [sflag:$0x2], $0x400, s21, s22, $0x38;
	[tilespmem:$0x2880] =	vst v63  }
0x15a: {  	s4 =	sadd.s32 $0x8000, s18  }
0x15b: {  	[hbm4b:s4+s22] =	stream.strided.scatter [tilespmem:s23], [sflag:$0x2], $0x400, s21, s22, $0x38;
	[tilespmem:$0x2880] =	vst v63  }
0x15c: {  	s4 =	sadd.s32 $0x10000, s18  }
0x15d: {  	[hbm4b:s4+s22] =	stream.strided.scatter [tilespmem:s24], [sflag:$0x2], $0x400, s21, s22, $0x38;
	[tilespmem:$0x2880] =	vst v63  }
0x15e: {  	s4 =	sadd.s32 $0x18000, s18  }
0x15f: {  	[hbm4b:s4+s22] =	stream.strided.scatter [tilespmem:s25], [sflag:$0x2], $0x400, s21, s22, $0x38;
	[tilespmem:$0x2880] =	vst v63  }
0x160: {  	s4 =	sadd.s32 $0x20000, s18  }
0x161: {  	[hbm4b:s4+s22] =	stream.strided.scatter [tilespmem:s26], [sflag:$0x2], $0x400, s21, s22, $0x38;
	[tilespmem:$0x2880] =	vst v63  }
0x162: {  	s4 =	sadd.s32 $0x28000, s18  }
0x163: {  	[hbm4b:s4+s22] =	stream.strided.scatter [tilespmem:s28], [sflag:$0x2], $0x400, s21, s22, $0x38;
	[tilespmem:$0x2880] =	vst v63  }
0x164: {  	s4 =	sadd.s32 $0x30000, s18  }
0x165: {  	[hbm4b:s4+s22] =	stream.strided.scatter [tilespmem:s29], [sflag:$0x2], $0x400, s21, s22, $0x38;
	[tilespmem:$0x2880] =	vst v63  }
0x166: {  	s4 =	sadd.s32 $0x38000, s18  }
0x167: {  	[hbm4b:s4+s22] =	stream.strided.scatter [tilespmem:s30], [sflag:$0x2], $0x400, s21, s22, $0x38;
	[tilespmem:$0x2880] =	vst v63  }
0x168: {  	s4 =	sadd.s32 $0x40000, s18  }
0x169: {  	[hbm4b:s4+s22] =	stream.strided.scatter [tilespmem:s31], [sflag:$0x2], $0x400, s21, s22, $0x38;
	[tilespmem:$0x2880] =	vst v63  }
0x16a: {  	s4 =	sadd.s32 $0x48000, s18  }
0x16b: {  	[hbm4b:s4+s22] =	stream.strided.scatter [tilespmem:s0], [sflag:$0x2], $0x400, s21, s22, $0x38;
	[tilespmem:$0x2880] =	vst v63  }
0x16c: {  	_ =	swait.ge [sflag:s1], $0x2800  }
0x16d: {  	[sflag:s1] =	ssyncset.done $0x0  }
0x16e: {  	[sflag:s1] =	ssyncadd.s32 $0xFFFFD800  }
0x16f: {  	_ =	swait.ge [sflag:s1], $0x2800  }
0x170: {  	[sflag:s1] =	ssyncset.done $0x0  }
0x171: {  	[sflag:s1] =	ssyncadd.s32 $0xFFFFD800  }
0x172: {  	_ =	swait.ge [sflag:s1], $0x2800  }
0x173: {  	[sflag:s1] =	ssyncset.done $0x0  }
0x174: {  	[sflag:s1] =	ssyncadd.s32 $0xFFFFD800  }
0x175: {  	_ =	swait.ge [sflag:s1], $0x2800  }
0x176: {  	[sflag:s1] =	ssyncset.done $0x0  }
0x177: {  	[sflag:s1] =	ssyncadd.s32 $0xFFFFD800  }
0x178: {  	_ =	swait.ge [sflag:s1], $0x2800  }
0x179: {  	[sflag:s1] =	ssyncset.done $0x0  }
0x17a: {  	[sflag:s1] =	ssyncadd.s32 $0xFFFFD800  }
0x17b: {  	_ =	swait.ge [sflag:s1], $0x2800  }
0x17c: {  	[sflag:s1] =	ssyncset.done $0x0  }
0x17d: {  	[sflag:s1] =	ssyncadd.s32 $0xFFFFD800  }
0x17e: {  	_ =	swait.ge [sflag:s1], $0x2800  }
0x17f: {  	[sflag:s1] =	ssyncset.done $0x0  }
0x180: {  	[sflag:s1] =	ssyncadd.s32 $0xFFFFD800  }
0x181: {  	_ =	swait.ge [sflag:s1], $0x2800  }
0x182: {  	[sflag:s1] =	ssyncset.done $0x0  }
0x183: {  	[sflag:s1] =	ssyncadd.s32 $0xFFFFD800  }
0x184: {  	_ =	swait.ge [sflag:s1], $0x2800  }
0x185: {  	[sflag:s1] =	ssyncset.done $0x0  }
0x186: {  	[sflag:s1] =	ssyncadd.s32 $0xFFFFD800  }
0x187: {  	_ =	swait.ge [sflag:s1], $0x2800  }
0x188: {  	[sflag:s1] =	ssyncset.done $0x0  }
0x189: {  	[sflag:s1] =	ssyncadd.s32 $0xFFFFD800  }
0x18a: {  	_ =	swait.ge [sflag:s1], $0x2800  }
.Ltmp3:
0x18b: {  	[sflag:s1] =	ssyncset.done $0x0;
	(pc) =	sbr.rel .LBB2_3-.Ltmp3, $4  }
0x18c: {  	[sflag:s1] =	ssyncadd.s32 $0xFFFFD800  }
0x18d: {  	_ =	swait.ge [sflag:s1], $0x2800  }
0x18e: {  	[sflag:s1] =	ssyncset.done $0x0  }
0x18f: {  	[sflag:s1] =	ssyncadd.s32 $0xFFFFD800  }
.LBB2_4:
0x190: {  	_ =	sfence.sel $0x180000  }
0x191: {  	[bflag:$0x0] =	sbarrier.arrive $0xFFFF  }
0x192: {  	_ =	strace $0x90000047  }
0x193: {  	s0 =	stileid.u32;
	[bflag:$0x2] =	sbarrier.arrive $0xFFFF  }
0x194: {  	p0 =	sne.s32 s0, $0x0;
	s0 =	rddreg [dreg:$0x3]  }
0x195: {  	s0 =	sadd.s32 @!p0 $0x100000, s0  }
0x196: {  	[sflag:s0] =	ssyncadd.tile.s32 @!p0 $0x1;
	_ =	shalt  }
.Lfunc_end2:
_tile_overlayer_lowered:
.L_overlay_start_2:
0x197: {  	(tag) =	ssettag $0x2  }
0x198: {  	s0 =	rddreg [dreg:$0x0];
	s2 =	stileid.u32  }
0x199: {  	s1 =	rddreg [dreg:$0x1];
	p0 =	sne.s32 s2, $0x0  }
0x19a: {  	s3 =	rddreg [dreg:$0x2];
	[bflag:$0x3] =	sbarrier.arrive $0xFFFF;
	s2 =	simm.s32 @!p0 $0x1C03  }
0x19b: {  	[timem:s3], [sflag:s2] =	dma.local @!p0 [hbm:s0], s1  }
0x19c: {  	s0 =	simm.s32 @!p0 $0x3  }
0x19d: {  	_ =	swait.ge @!p0 [sflag:s0], s1  }
0x19e: {  	s1 =	ssub.s32 @!p0 $0x0, s1;
	[sflag:s0] =	ssyncset.done @!p0 $0x0  }
0x19f: {  	[sflag:s0] =	ssyncadd.s32 @!p0 s1  }
0x1a0: {  	[bflag:$0x3] =	sbarrier.arrive $0xFFFF  }
0x1a1: {  	_ =	shalt  }

</sc_bundles>
